<compile_context>
chip_gen: v7x
topology: tpu7x:2x2x1
jax: 0.10.2.dev20260603
libtpu: 0.0.44.dev20260713+nightly
codegen_flags: <defaults>
</compile_context>

<pallas_src>
import numpy as np
import jax
import jax.numpy as jnp
from jax import lax
from jax.experimental import pallas as pl
from jax.experimental.pallas import tpu as pltpu
from jax.experimental.pallas import tpu_sc as plsc

_N_LEVELS = 16
_F = 2
_LOG2 = 19
_LOW = np.float32(16.0)
_HIGH = np.float32(512.0)
_N = 262144
_B = np.exp(np.log(_HIGH / _LOW) / np.float32(_N_LEVELS - 1))
_P1 = np.uint32(2654435761)
_P2 = np.uint32(805459861)
_MASK = np.uint32((1 << _LOG2) - 1)
_UNITS = (_N_LEVELS << (_LOG2 + 1)) // 8

_NC = 2
_NS = 16
_NW = _NC * _NS
_PPW = _N // _NW
_CH = 256
_NCHUNK = _PPW // _CH
_NIDX = 8 * _CH
_DMA_B = 128
_NDMA = _NIDX // _DMA_B


def _body(cx_h, cy_h, cz_h, const_h, tab_h, out_h, mask_h,
          constv, cxv, cyv, czv,
          wxv0, wyv0, wzv0, wxv1, wyv1, wzv1,
          maskv, idxu0, idxu1, idxs0, idxs1, embv0, embv1, outv,
          sem_g0, sem_g1):
    wid = lax.axis_index("s") * _NC + lax.axis_index("c")
    pltpu.sync_copy(const_h, constv)
    lanes = lax.broadcasted_iota(jnp.int32, (16,), 0)
    dup = lanes >> 1
    fpar = lanes & 1
    zero16 = jnp.zeros((16,), jnp.int32)
    one16 = jnp.full((16,), 1, jnp.int32)
    bufs = (
        (wxv0, wyv0, wzv0, idxu0, idxs0, embv0, sem_g0),
        (wxv1, wyv1, wzv1, idxu1, idxs1, embv1, sem_g1),
    )

    def phase1(l, wxv, wyv, wzv, idxu, idxs):
        lful = jnp.full((16,), l, jnp.int32)
        gsx = plsc.load_gather(constv, [zero16, lful])
        gsy = plsc.load_gather(constv, [zero16 + 1, lful])
        gsz = plsc.load_gather(constv, [zero16 + 2, lful])
        bminx = constv[3]
        bminy = constv[4]
        bminz = constv[5]
        bmaxx = constv[6]
        bmaxy = constv[7]
        bmaxz = constv[8]
        ubase = l << 17

        @pl.loop(0, _CH // 16)
        def _p1(i):
            p0 = i * 16
            x = cxv[pl.ds(p0, 16)]
            y = cyv[pl.ds(p0, 16)]
            z = czv[pl.ds(p0, 16)]
            xc = jnp.minimum(jnp.maximum(x, bminx), bmaxx)
            yc = jnp.minimum(jnp.maximum(y, bminy), bmaxy)
            zc = jnp.minimum(jnp.maximum(z, bminz), bmaxz)
            blx = ((xc - bminx) / gsx).astype(jnp.int32)
            bly = ((yc - bminy) / gsy).astype(jnp.int32)
            blz = ((zc - bminz) / gsz).astype(jnp.int32)
            vminx = blx.astype(jnp.float32) * gsx + bminx
            vminy = bly.astype(jnp.float32) * gsy + bminy
            vminz = blz.astype(jnp.float32) * gsz + bminz
            wxv[pl.ds(p0, 16)] = (x - vminx) / ((vminx + gsx) - vminx)
            wyv[pl.ds(p0, 16)] = (y - vminy) / ((vminy + gsy) - vminy)
            wzv[pl.ds(p0, 16)] = (z - vminz) / ((vminz + gsz) - vminz)
            xu0 = blx.astype(jnp.uint32)
            xu1 = xu0 + np.uint32(1)
            yu0 = bly.astype(jnp.uint32) * _P1
            yu1 = yu0 + _P1
            zu0 = blz.astype(jnp.uint32) * _P2
            zu1 = zu0 + _P2
            c = 0
            for xu in (xu0, xu1):
                for yu in (yu0, yu1):
                    for zu in (zu0, zu1):
                        h = ((xu ^ yu ^ zu) & _MASK).astype(jnp.int32)
                        q = c * _CH + p0
                        idxu[pl.ds(q, 16)] = ubase + (h >> 2)
                        idxs[pl.ds(q, 16)] = (h & 3) * 2
                        c += 1

    def fire(idxu, embv, sem):
        @pl.loop(0, _NDMA)
        def _fire(j):
            pltpu.async_copy(
                tab_h.at[idxu.at[pl.ds(j * _DMA_B, _DMA_B)]],
                embv.at[pl.ds(j * _DMA_B, _DMA_B), :],
                sem)

    def drain(idxu, embv, sem):
        @pl.loop(0, _NDMA)
        def _drain(j):
            pltpu.make_async_copy(
                tab_h.at[idxu.at[pl.ds(j * _DMA_B, _DMA_B)]],
                embv.at[pl.ds(j * _DMA_B, _DMA_B), :],
                sem).wait()

    def phase3(l, wxv, wyv, wzv, idxs, embv):
        @pl.loop(0, _CH // 8)
        def _p3(k):
            p0 = k * 8
            rb = p0 + dup
            col = 2 * l + fpar
            wx = plsc.load_gather(wxv, [rb])
            wy = plsc.load_gather(wyv, [rb])
            wz = plsc.load_gather(wzv, [rb])
            e = []
            for c in range(8):
                rc = rb + c * _CH
                sub = plsc.load_gather(idxs, [rc])
                e.append(plsc.load_gather(embv, [rc, sub + fpar]))
            omx = 1.0 - wx
            omy = 1.0 - wy
            omz = 1.0 - wz
            c00 = e[0] * omx + e[4] * wx
            c01 = e[1] * omx + e[5] * wx
            c10 = e[2] * omx + e[6] * wx
            c11 = e[3] * omx + e[7] * wx
            c0 = c00 * omy + c10 * wy
            c1 = c01 * omy + c11 * wy
            o = c0 * omz + c1 * wz
            plsc.store_scatter(outv, [rb, col], o)

    @pl.loop(0, _NCHUNK)
    def _chunk(ci):
        gbase = wid * _PPW + ci * _CH
        pltpu.sync_copy(cx_h.at[pl.ds(gbase, _CH)], cxv)
        pltpu.sync_copy(cy_h.at[pl.ds(gbase, _CH)], cyv)
        pltpu.sync_copy(cz_h.at[pl.ds(gbase, _CH)], czv)

        bminx = constv[3]
        bminy = constv[4]
        bminz = constv[5]
        bmaxx = constv[6]
        bmaxy = constv[7]
        bmaxz = constv[8]

        @pl.loop(0, _CH // 16)
        def _mask(i):
            p0 = i * 16
            x = cxv[pl.ds(p0, 16)]
            y = cyv[pl.ds(p0, 16)]
            z = czv[pl.ds(p0, 16)]
            kx = x == jnp.maximum(jnp.minimum(x, bmaxx), bminx)
            ky = y == jnp.maximum(jnp.minimum(y, bmaxy), bminy)
            kz = z == jnp.maximum(jnp.minimum(z, bmaxz), bminz)
            maskv[pl.ds(p0, 16)] = jnp.where(
                kx, jnp.where(ky, jnp.where(kz, one16, zero16), zero16), zero16)

        @pl.loop(0, _N_LEVELS)
        def _level(l):
            wxv, wyv, wzv, idxu, idxs, embv, sem = bufs[0]
            phase1(l, wxv, wyv, wzv, idxu, idxs)
            fire(idxu, embv, sem)
            drain(idxu, embv, sem)
            phase3(l, wxv, wyv, wzv, idxs, embv)

        pltpu.sync_copy(outv, out_h.at[pl.ds(gbase, _CH)])
        pltpu.sync_copy(maskv, mask_h.at[pl.ds(gbase, _CH)])


def kernel(coords, bbox_min, bbox_max, tables):
    res = jnp.stack([
        jnp.floor(jnp.float32(_LOW) * jnp.float32(_B) ** i)
        for i in range(_N_LEVELS)
    ])
    gs = (bbox_max - bbox_min)[None, :] / res[:, None]
    const = jnp.zeros((12, 16), jnp.float32)
    const = const.at[0].set(gs[:, 0]).at[1].set(gs[:, 1]).at[2].set(gs[:, 2])
    const = const.at[3].set(bbox_min[0]).at[4].set(bbox_min[1]).at[5].set(bbox_min[2])
    const = const.at[6].set(bbox_max[0]).at[7].set(bbox_max[1]).at[8].set(bbox_max[2])

    cx = coords[:, 0]
    cy = coords[:, 1]
    cz = coords[:, 2]
    tabv = tables.reshape(_UNITS, 8)

    mesh = plsc.VectorSubcoreMesh(core_axis_name="c", subcore_axis_name="s")
    out, mask_i32 = pl.kernel(
        _body,
        out_type=(
            jax.ShapeDtypeStruct((_N, 2 * _N_LEVELS), jnp.float32),
            jax.ShapeDtypeStruct((_N,), jnp.int32),
        ),
        mesh=mesh,
        compiler_params=pltpu.CompilerParams(
            use_tc_tiling_on_sc=False, needs_layout_passes=False),
        scratch_types=[
            pltpu.VMEM((12, 16), jnp.float32),
            pltpu.VMEM((_CH,), jnp.float32),
            pltpu.VMEM((_CH,), jnp.float32),
            pltpu.VMEM((_CH,), jnp.float32),
            pltpu.VMEM((_CH,), jnp.float32),
            pltpu.VMEM((_CH,), jnp.float32),
            pltpu.VMEM((_CH,), jnp.float32),
            pltpu.VMEM((_CH,), jnp.float32),
            pltpu.VMEM((_CH,), jnp.float32),
            pltpu.VMEM((_CH,), jnp.float32),
            pltpu.VMEM((_CH,), jnp.int32),
            pltpu.VMEM((_NIDX,), jnp.int32),
            pltpu.VMEM((_NIDX,), jnp.int32),
            pltpu.VMEM((_NIDX,), jnp.int32),
            pltpu.VMEM((_NIDX,), jnp.int32),
            pltpu.VMEM((_NIDX, 8), jnp.float32),
            pltpu.VMEM((_NIDX, 8), jnp.float32),
            pltpu.VMEM((_CH, 2 * _N_LEVELS), jnp.float32),
            pltpu.SemaphoreType.DMA,
            pltpu.SemaphoreType.DMA,
        ],
    )(cx, cy, cz, const, tabv)
    return out, mask_i32 != 0

# --- scband reference (transcript-rebuilt; emitter-appended) ---
"""Pipeline reference for scband-hash-embedder-42494406427409 (READ-ONLY COPY).

The authoritative reference and input builder live on the scoring server;
editing this copy changes nothing except your own understanding.
"""

import jax, jax.numpy as jnp
import numpy as np

N_LEVELS = 16
F = 2
LOG2 = 19
LOW = np.float32(16.0)
HIGH = np.float32(512.0)
N = 262144
B = np.exp(np.log(HIGH / LOW) / np.float32(N_LEVELS - 1))
PRIMES = jnp.array([1, 2654435761, 805459861], dtype=jnp.uint32)
BOX_OFFSET = jnp.array([[i, j, k] for i in (0, 1) for j in (0, 1) for k in (0, 1)], dtype=jnp.int32)
HASH_MASK = jnp.uint32((1 << LOG2) - 1)


def _hash(vidx):
    # vidx: int32 [N, 8, 3]; low-19-bit result identical to torch int64 math
    c = vidx.astype(jnp.uint32)
    x = c[..., 0] * PRIMES[0]
    x = x ^ (c[..., 1] * PRIMES[1])
    x = x ^ (c[..., 2] * PRIMES[2])
    return (x & HASH_MASK).astype(jnp.int32)


def setup_inputs(seed: int = 0) -> dict:
    key = jax.random.key(seed)
    k1, k2 = jax.random.split(key)
    coords = jax.random.uniform(k1, (N, 3), dtype=jnp.float32)
    # nn.Embedding default init: N(0, 1); stacked tables [n_levels, 2**19, 2]
    tables = jax.random.normal(k2, (N_LEVELS, 2 ** LOG2, F), dtype=jnp.float32)
    bbox_min = jnp.zeros((3,), dtype=jnp.float32)
    bbox_max = jnp.ones((3,), dtype=jnp.float32)
    return {"coords": coords, "bbox_min": bbox_min, "bbox_max": bbox_max, "tables": tables}


def _level(coords, bbox_min, bbox_max, table, resolution):
    keep_mask = coords == jnp.maximum(jnp.minimum(coords, bbox_max), bbox_min)
    c = jnp.clip(coords, bbox_min, bbox_max)
    grid_size = (bbox_max - bbox_min) / resolution
    bottom_left = jnp.floor((c - bbox_min) / grid_size).astype(jnp.int32)
    voxel_min = bottom_left.astype(jnp.float32) * grid_size + bbox_min
    voxel_max = voxel_min + grid_size
    voxel_indices = bottom_left[:, None, :] + BOX_OFFSET[None, :, :]
    hashed = _hash(voxel_indices)          # [N, 8]
    emb = table[hashed]                    # [N, 8, F] gather
    # trilinear interpolation; torch uses ORIGINAL (unclamped) coords for weights
    w = (coords - voxel_min) / (voxel_max - voxel_min)
    c00 = emb[:, 0] * (1 - w[:, 0:1]) + emb[:, 4] * w[:, 0:1]
    c01 = emb[:, 1] * (1 - w[:, 0:1]) + emb[:, 5] * w[:, 0:1]
    c10 = emb[:, 2] * (1 - w[:, 0:1]) + emb[:, 6] * w[:, 0:1]
    c11 = emb[:, 3] * (1 - w[:, 0:1]) + emb[:, 7] * w[:, 0:1]
    c0 = c00 * (1 - w[:, 1:2]) + c10 * w[:, 1:2]
    c1 = c01 * (1 - w[:, 1:2]) + c11 * w[:, 1:2]
    out = c0 * (1 - w[:, 2:3]) + c1 * w[:, 2:3]
    return out, keep_mask


def reference(coords, bbox_min, bbox_max, tables):
    outs = []
    keep = None
    for i in range(N_LEVELS):
        resolution = jnp.floor(jnp.float32(LOW) * jnp.float32(B) ** i)
        out_i, keep = _level(coords, bbox_min, bbox_max, tables[i], resolution)
        outs.append(out_i)
    new_coords = jnp.concatenate(outs, axis=-1)   # [N, 32]
    keep_mask = jnp.sum(keep, axis=-1) == keep.shape[-1]
    return new_coords, keep_mask

if __name__ == "__main__":
    import jax
    _d = setup_inputs()
    print(jax.jit(kernel)(*tuple(_d.values())))

</pallas_src>

<mosaic_0001>
#map = affine_map<(d0, d1) -> (0)>
#map1 = affine_map<(d0, d1) -> (0, 0)>
module attributes {stable_mosaic.version = 14 : i64} {
  func.func @_body(%arg0: i32, %arg1: i32, %arg2: memref<262144xf32, #tpu.memory_space<hbm>>, %arg3: memref<262144xf32, #tpu.memory_space<hbm>>, %arg4: memref<262144xf32, #tpu.memory_space<hbm>>, %arg5: memref<12x16xf32, #tpu.memory_space<hbm>>, %arg6: memref<2097152x8xf32, #tpu.memory_space<hbm>>, %arg7: memref<262144x32xf32, #tpu.memory_space<hbm>>, %arg8: memref<262144xi32, #tpu.memory_space<hbm>>, %arg9: memref<12x16xf32, #tpu.memory_space<vmem>>, %arg10: memref<256xf32, #tpu.memory_space<vmem>>, %arg11: memref<256xf32, #tpu.memory_space<vmem>>, %arg12: memref<256xf32, #tpu.memory_space<vmem>>, %arg13: memref<256xf32, #tpu.memory_space<vmem>>, %arg14: memref<256xf32, #tpu.memory_space<vmem>>, %arg15: memref<256xf32, #tpu.memory_space<vmem>>, %arg16: memref<256xf32, #tpu.memory_space<vmem>>, %arg17: memref<256xf32, #tpu.memory_space<vmem>>, %arg18: memref<256xf32, #tpu.memory_space<vmem>>, %arg19: memref<256xi32, #tpu.memory_space<vmem>>, %arg20: memref<2048xi32, #tpu.memory_space<vmem>>, %arg21: memref<2048xi32, #tpu.memory_space<vmem>>, %arg22: memref<2048xi32, #tpu.memory_space<vmem>>, %arg23: memref<2048xi32, #tpu.memory_space<vmem>>, %arg24: memref<2048x8xf32, #tpu.memory_space<vmem>>, %arg25: memref<2048x8xf32, #tpu.memory_space<vmem>>, %arg26: memref<256x32xf32, #tpu.memory_space<vmem>>, %arg27: memref<!tpu.dma_semaphore, #tpu.memory_space<semaphore_mem>>, %arg28: memref<!tpu.dma_semaphore, #tpu.memory_space<semaphore_mem>>) attributes {dimension_semantics = [#tpu.dimension_semantics<core_parallel>, #tpu.dimension_semantics<subcore_parallel>], iteration_bounds = array<i64: 2, 16>, scalar_prefetch = 0 : i64, scratch_operands = 20 : i64, tpu.core_type = #tpu.core_type<sc_vector_subcore>, window_params = [{transform_indices = #map}, {transform_indices = #map}, {transform_indices = #map}, {transform_indices = #map1}, {transform_indices = #map1}, {transform_indices = #map1}, {transform_indices = #map}]} {
    %mul3A = arith.constant 2 : i32
    %mul3A_0 = arith.muli %arg1, %mul3A : i32
    %add3A = arith.addi %mul3A_0, %arg0 : i32
    "tpu.region"() ({
      %run_scoped3A = tpu.sem_alloc : memref<!tpu.dma_semaphore, #tpu.memory_space<semaphore_mem>>
      tpu.enqueue_dma source(%arg5 : memref<12x16xf32, #tpu.memory_space<hbm>>) target(%arg9 : memref<12x16xf32, #tpu.memory_space<vmem>>) target_semaphore(%run_scoped3A : memref<!tpu.dma_semaphore, #tpu.memory_space<semaphore_mem>>)
      tpu.wait_dma2 semaphore(%run_scoped3A : memref<!tpu.dma_semaphore, #tpu.memory_space<semaphore_mem>>) src(%arg5 : memref<12x16xf32, #tpu.memory_space<hbm>>) dst(%arg9 : memref<12x16xf32, #tpu.memory_space<vmem>>)
      tpu.yield
    }) : () -> ()
    %iota3A = tpu.iota {dimensions = array<i32: 0>} : vector<16xi32>
    %shift_right_arithmetic3A = arith.constant 1 : i32
    %shift_right_arithmetic3A_1 = vector.broadcast %shift_right_arithmetic3A : i32 to vector<16xi32>
    %shift_right_arithmetic3A_2 = arith.shrsi %iota3A, %shift_right_arithmetic3A_1 : vector<16xi32>
    %and3A = arith.constant 1 : i32
    %and3A_3 = vector.broadcast %and3A : i32 to vector<16xi32>
    %and3A_4 = arith.andi %iota3A, %and3A_3 : vector<16xi32>
    %broadcast_in_dim3A = arith.constant 0 : i32
    %broadcast_in_dim3A_5 = vector.broadcast %broadcast_in_dim3A : i32 to vector<16xi32>
    %broadcast_in_dim3A_6 = arith.constant 1 : i32
    %broadcast_in_dim3A_7 = vector.broadcast %broadcast_in_dim3A_6 : i32 to vector<16xi32>
    %scan3A = arith.constant 0 : i32
    %scan3A_8 = arith.constant 32 : i32
    %scan3A_9 = arith.addi %scan3A, %scan3A_8 : i32
    %scan3A_10 = arith.constant 1 : i32
    scf.for %scan3A_12 = %scan3A to %scan3A_9 step %scan3A_10  : i32 {
      %mul3A_13 = arith.constant 1 : i32
      %mul3A_14 = arith.muli %scan3A_12, %mul3A_13 : i32
      %add3A_15 = arith.constant 0 : i32
      %add3A_16 = arith.addi %add3A_15, %mul3A_14 : i32
      %mul3A_17 = arith.constant 8192 : i32
      %mul3A_18 = arith.muli %add3A, %mul3A_17 : i32
      %mul3A_19 = arith.constant 256 : i32
      %mul3A_20 = arith.muli %add3A_16, %mul3A_19 : i32
      %add3A_21 = arith.addi %mul3A_18, %mul3A_20 : i32
      "tpu.region"() ({
        %run_scoped3A = tpu.sem_alloc : memref<!tpu.dma_semaphore, #tpu.memory_space<semaphore_mem>>
        %dma_start3A = tpu.memref_slice %arg2[%add3A_21] : memref<262144xf32, #tpu.memory_space<hbm>> -> memref<256xf32, #tpu.memory_space<hbm>>
        %dma_start3A_55 = tpu.memref_slice %arg2[%add3A_21] : memref<262144xf32, #tpu.memory_space<hbm>> -> memref<256xf32, #tpu.memory_space<hbm>>
        tpu.enqueue_dma source(%dma_start3A_55 : memref<256xf32, #tpu.memory_space<hbm>>) target(%arg10 : memref<256xf32, #tpu.memory_space<vmem>>) target_semaphore(%run_scoped3A : memref<!tpu.dma_semaphore, #tpu.memory_space<semaphore_mem>>)
        %dma_wait3A = tpu.memref_slice %arg2[%add3A_21] : memref<262144xf32, #tpu.memory_space<hbm>> -> memref<256xf32, #tpu.memory_space<hbm>>
        %dma_wait3A_56 = tpu.memref_slice %arg2[%add3A_21] : memref<262144xf32, #tpu.memory_space<hbm>> -> memref<256xf32, #tpu.memory_space<hbm>>
        tpu.wait_dma2 semaphore(%run_scoped3A : memref<!tpu.dma_semaphore, #tpu.memory_space<semaphore_mem>>) src(%dma_wait3A_56 : memref<256xf32, #tpu.memory_space<hbm>>) dst(%arg10 : memref<256xf32, #tpu.memory_space<vmem>>)
        tpu.yield
      }) : () -> ()
      "tpu.region"() ({
        %run_scoped3A = tpu.sem_alloc : memref<!tpu.dma_semaphore, #tpu.memory_space<semaphore_mem>>
        %dma_start3A = tpu.memref_slice %arg3[%add3A_21] : memref<262144xf32, #tpu.memory_space<hbm>> -> memref<256xf32, #tpu.memory_space<hbm>>
        %dma_start3A_55 = tpu.memref_slice %arg3[%add3A_21] : memref<262144xf32, #tpu.memory_space<hbm>> -> memref<256xf32, #tpu.memory_space<hbm>>
        tpu.enqueue_dma source(%dma_start3A_55 : memref<256xf32, #tpu.memory_space<hbm>>) target(%arg11 : memref<256xf32, #tpu.memory_space<vmem>>) target_semaphore(%run_scoped3A : memref<!tpu.dma_semaphore, #tpu.memory_space<semaphore_mem>>)
        %dma_wait3A = tpu.memref_slice %arg3[%add3A_21] : memref<262144xf32, #tpu.memory_space<hbm>> -> memref<256xf32, #tpu.memory_space<hbm>>
        %dma_wait3A_56 = tpu.memref_slice %arg3[%add3A_21] : memref<262144xf32, #tpu.memory_space<hbm>> -> memref<256xf32, #tpu.memory_space<hbm>>
        tpu.wait_dma2 semaphore(%run_scoped3A : memref<!tpu.dma_semaphore, #tpu.memory_space<semaphore_mem>>) src(%dma_wait3A_56 : memref<256xf32, #tpu.memory_space<hbm>>) dst(%arg11 : memref<256xf32, #tpu.memory_space<vmem>>)
        tpu.yield
      }) : () -> ()
      "tpu.region"() ({
        %run_scoped3A = tpu.sem_alloc : memref<!tpu.dma_semaphore, #tpu.memory_space<semaphore_mem>>
        %dma_start3A = tpu.memref_slice %arg4[%add3A_21] : memref<262144xf32, #tpu.memory_space<hbm>> -> memref<256xf32, #tpu.memory_space<hbm>>
        %dma_start3A_55 = tpu.memref_slice %arg4[%add3A_21] : memref<262144xf32, #tpu.memory_space<hbm>> -> memref<256xf32, #tpu.memory_space<hbm>>
        tpu.enqueue_dma source(%dma_start3A_55 : memref<256xf32, #tpu.memory_space<hbm>>) target(%arg12 : memref<256xf32, #tpu.memory_space<vmem>>) target_semaphore(%run_scoped3A : memref<!tpu.dma_semaphore, #tpu.memory_space<semaphore_mem>>)
        %dma_wait3A = tpu.memref_slice %arg4[%add3A_21] : memref<262144xf32, #tpu.memory_space<hbm>> -> memref<256xf32, #tpu.memory_space<hbm>>
        %dma_wait3A_56 = tpu.memref_slice %arg4[%add3A_21] : memref<262144xf32, #tpu.memory_space<hbm>> -> memref<256xf32, #tpu.memory_space<hbm>>
        tpu.wait_dma2 semaphore(%run_scoped3A : memref<!tpu.dma_semaphore, #tpu.memory_space<semaphore_mem>>) src(%dma_wait3A_56 : memref<256xf32, #tpu.memory_space<hbm>>) dst(%arg12 : memref<256xf32, #tpu.memory_space<vmem>>)
        tpu.yield
      }) : () -> ()
      %get3A = arith.constant 3 : i32
      %get3A_22 = arith.index_cast %get3A : i32 to index
      %get3A_23 = arith.constant 0 : index
      %get3A_24 = tpu.vector_load %arg9[%get3A_22, %get3A_23] {strides = array<i32>} : memref<12x16xf32, #tpu.memory_space<vmem>>, vector<16xf32>,
      %get3A_25 = arith.constant 4 : i32
      %get3A_26 = arith.index_cast %get3A_25 : i32 to index
      %get3A_27 = arith.constant 0 : index
      %get3A_28 = tpu.vector_load %arg9[%get3A_26, %get3A_27] {strides = array<i32>} : memref<12x16xf32, #tpu.memory_space<vmem>>, vector<16xf32>,
      %get3A_29 = arith.constant 5 : i32
      %get3A_30 = arith.index_cast %get3A_29 : i32 to index
      %get3A_31 = arith.constant 0 : index
      %get3A_32 = tpu.vector_load %arg9[%get3A_30, %get3A_31] {strides = array<i32>} : memref<12x16xf32, #tpu.memory_space<vmem>>, vector<16xf32>,
      %get3A_33 = arith.constant 6 : i32
      %get3A_34 = arith.index_cast %get3A_33 : i32 to index
      %get3A_35 = arith.constant 0 : index
      %get3A_36 = tpu.vector_load %arg9[%get3A_34, %get3A_35] {strides = array<i32>} : memref<12x16xf32, #tpu.memory_space<vmem>>, vector<16xf32>,
      %get3A_37 = arith.constant 7 : i32
      %get3A_38 = arith.index_cast %get3A_37 : i32 to index
      %get3A_39 = arith.constant 0 : index
      %get3A_40 = tpu.vector_load %arg9[%get3A_38, %get3A_39] {strides = array<i32>} : memref<12x16xf32, #tpu.memory_space<vmem>>, vector<16xf32>,
      %get3A_41 = arith.constant 8 : i32
      %get3A_42 = arith.index_cast %get3A_41 : i32 to index
      %get3A_43 = arith.constant 0 : index
      %get3A_44 = tpu.vector_load %arg9[%get3A_42, %get3A_43] {strides = array<i32>} : memref<12x16xf32, #tpu.memory_space<vmem>>, vector<16xf32>,
      %scan3A_45 = arith.constant 0 : i32
      %scan3A_46 = arith.constant 16 : i32
      %scan3A_47 = arith.addi %scan3A_45, %scan3A_46 : i32
      %scan3A_48 = arith.constant 1 : i32
      scf.for %scan3A_55 = %scan3A_45 to %scan3A_47 step %scan3A_48  : i32 {
        %mul3A_56 = arith.constant 1 : i32
        %mul3A_57 = arith.muli %scan3A_55, %mul3A_56 : i32
        %add3A_58 = arith.constant 0 : i32
        %add3A_59 = arith.addi %add3A_58, %mul3A_57 : i32
        %mul3A_60 = arith.constant 16 : i32
        %mul3A_61 = arith.muli %add3A_59, %mul3A_60 : i32
        %get3A_62 = arith.index_cast %mul3A_61 : i32 to index
        %get3A_63 = tpu.vector_load %arg10[%get3A_62] {strides = array<i32>} : memref<256xf32, #tpu.memory_space<vmem>>, vector<16xf32>,
        %get3A_64 = arith.index_cast %mul3A_61 : i32 to index
        %get3A_65 = tpu.vector_load %arg11[%get3A_64] {strides = array<i32>} : memref<256xf32, #tpu.memory_space<vmem>>, vector<16xf32>,
        %get3A_66 = arith.index_cast %mul3A_61 : i32 to index
        %get3A_67 = tpu.vector_load %arg12[%get3A_66] {strides = array<i32>} : memref<256xf32, #tpu.memory_space<vmem>>, vector<16xf32>,
        %min3A = arith.minimumf %get3A_63, %get3A_36 : vector<16xf32>
        %max3A = arith.maximumf %min3A, %get3A_24 : vector<16xf32>
        %eq3A = arith.cmpf oeq, %get3A_63, %max3A : vector<16xf32>
        %min3A_68 = arith.minimumf %get3A_65, %get3A_40 : vector<16xf32>
        %max3A_69 = arith.maximumf %min3A_68, %get3A_28 : vector<16xf32>
        %eq3A_70 = arith.cmpf oeq, %get3A_65, %max3A_69 : vector<16xf32>
        %min3A_71 = arith.minimumf %get3A_67, %get3A_44 : vector<16xf32>
        %max3A_72 = arith.maximumf %min3A_71, %get3A_32 : vector<16xf32>
        %eq3A_73 = arith.cmpf oeq, %get3A_67, %max3A_72 : vector<16xf32>
        %select_n3A = arith.select %eq3A_73, %broadcast_in_dim3A_7, %broadcast_in_dim3A_5 : vector<16xi1>, vector<16xi32>
        %select_n3A_74 = arith.select %eq3A_70, %select_n3A, %broadcast_in_dim3A_5 : vector<16xi1>, vector<16xi32>
        %select_n3A_75 = arith.select %eq3A, %select_n3A_74, %broadcast_in_dim3A_5 : vector<16xi1>, vector<16xi32>
        %swap3A = arith.index_cast %mul3A_61 : i32 to index
        %swap3A_76 = tpu.vector_load %arg19[%swap3A] {strides = array<i32>} : memref<256xi32, #tpu.memory_space<vmem>>, vector<16xi32>,
        tpu.vector_store %arg19[%swap3A], %select_n3A_75 {strides = array<i32>} : memref<256xi32, #tpu.memory_space<vmem>>, vector<16xi32>,
      }
      %scan3A_49 = arith.constant 16 : i32
      %scan3A_50 = arith.constant 0 : i32
      %scan3A_51 = arith.constant 16 : i32
      %scan3A_52 = arith.addi %scan3A_50, %scan3A_51 : i32
      %scan3A_53 = arith.constant 1 : i32
      scf.for %scan3A_55 = %scan3A_50 to %scan3A_52 step %scan3A_53  : i32 {
        %mul3A_56 = arith.constant 1 : i32
        %mul3A_57 = arith.muli %scan3A_55, %mul3A_56 : i32
        %add3A_58 = arith.constant 0 : i32
        %add3A_59 = arith.addi %add3A_58, %mul3A_57 : i32
        %broadcast_in_dim3A_60 = vector.broadcast %add3A_59 : i32 to vector<16xi32>
        %gather3A = tpu.vector_load_idx %arg9[%broadcast_in_dim3A_5, %broadcast_in_dim3A_60] : memref<12x16xf32, #tpu.memory_space<vmem>>[vector<16xi32>, vector<16xi32>], vector<16xf32>,
        %add3A_61 = arith.constant 1 : i32
        %add3A_62 = vector.broadcast %add3A_61 : i32 to vector<16xi32>
        %add3A_63 = arith.addi %broadcast_in_dim3A_5, %add3A_62 : vector<16xi32>
        %gather3A_64 = tpu.vector_load_idx %arg9[%add3A_63, %broadcast_in_dim3A_60] : memref<12x16xf32, #tpu.memory_space<vmem>>[vector<16xi32>, vector<16xi32>], vector<16xf32>,
        %add3A_65 = arith.constant 2 : i32
        %add3A_66 = vector.broadcast %add3A_65 : i32 to vector<16xi32>
        %add3A_67 = arith.addi %broadcast_in_dim3A_5, %add3A_66 : vector<16xi32>
        %gather3A_68 = tpu.vector_load_idx %arg9[%add3A_67, %broadcast_in_dim3A_60] : memref<12x16xf32, #tpu.memory_space<vmem>>[vector<16xi32>, vector<16xi32>], vector<16xf32>,
        %get3A_69 = arith.constant 3 : i32
        %get3A_70 = arith.index_cast %get3A_69 : i32 to index
        %get3A_71 = arith.constant 0 : index
        %get3A_72 = tpu.vector_load %arg9[%get3A_70, %get3A_71] {strides = array<i32>} : memref<12x16xf32, #tpu.memory_space<vmem>>, vector<16xf32>,
        %get3A_73 = arith.constant 4 : i32
        %get3A_74 = arith.index_cast %get3A_73 : i32 to index
        %get3A_75 = arith.constant 0 : index
        %get3A_76 = tpu.vector_load %arg9[%get3A_74, %get3A_75] {strides = array<i32>} : memref<12x16xf32, #tpu.memory_space<vmem>>, vector<16xf32>,
        %get3A_77 = arith.constant 5 : i32
        %get3A_78 = arith.index_cast %get3A_77 : i32 to index
        %get3A_79 = arith.constant 0 : index
        %get3A_80 = tpu.vector_load %arg9[%get3A_78, %get3A_79] {strides = array<i32>} : memref<12x16xf32, #tpu.memory_space<vmem>>, vector<16xf32>,
        %get3A_81 = arith.constant 6 : i32
        %get3A_82 = arith.index_cast %get3A_81 : i32 to index
        %get3A_83 = arith.constant 0 : index
        %get3A_84 = tpu.vector_load %arg9[%get3A_82, %get3A_83] {strides = array<i32>} : memref<12x16xf32, #tpu.memory_space<vmem>>, vector<16xf32>,
        %get3A_85 = arith.constant 7 : i32
        %get3A_86 = arith.index_cast %get3A_85 : i32 to index
        %get3A_87 = arith.constant 0 : index
        %get3A_88 = tpu.vector_load %arg9[%get3A_86, %get3A_87] {strides = array<i32>} : memref<12x16xf32, #tpu.memory_space<vmem>>, vector<16xf32>,
        %get3A_89 = arith.constant 8 : i32
        %get3A_90 = arith.index_cast %get3A_89 : i32 to index
        %get3A_91 = arith.constant 0 : index
        %get3A_92 = tpu.vector_load %arg9[%get3A_90, %get3A_91] {strides = array<i32>} : memref<12x16xf32, #tpu.memory_space<vmem>>, vector<16xf32>,
        %shift_left3A = arith.constant 17 : i32
        %shift_left3A_93 = arith.shli %add3A_59, %shift_left3A : i32
        %scan3A_94 = arith.constant 0 : i32
        %scan3A_95 = arith.constant 16 : i32
        %scan3A_96 = arith.addi %scan3A_94, %scan3A_95 : i32
        %scan3A_97 = arith.constant 1 : i32
        scf.for %scan3A_114 = %scan3A_94 to %scan3A_96 step %scan3A_97  : i32 {
          %mul3A_115 = arith.constant 1 : i32
          %mul3A_116 = arith.muli %scan3A_114, %mul3A_115 : i32
          %add3A_117 = arith.constant 0 : i32
          %add3A_118 = arith.addi %add3A_117, %mul3A_116 : i32
          %mul3A_119 = arith.constant 16 : i32
          %mul3A_120 = arith.muli %add3A_118, %mul3A_119 : i32
          %get3A_121 = arith.index_cast %mul3A_120 : i32 to index
          %get3A_122 = tpu.vector_load %arg10[%get3A_121] {strides = array<i32>} : memref<256xf32, #tpu.memory_space<vmem>>, vector<16xf32>,
          %get3A_123 = arith.index_cast %mul3A_120 : i32 to index
          %get3A_124 = tpu.vector_load %arg11[%get3A_123] {strides = array<i32>} : memref<256xf32, #tpu.memory_space<vmem>>, vector<16xf32>,
          %get3A_125 = arith.index_cast %mul3A_120 : i32 to index
          %get3A_126 = tpu.vector_load %arg12[%get3A_125] {strides = array<i32>} : memref<256xf32, #tpu.memory_space<vmem>>, vector<16xf32>,
          %max3A = arith.maximumf %get3A_122, %get3A_72 : vector<16xf32>
          %min3A = arith.minimumf %max3A, %get3A_84 : vector<16xf32>
          %max3A_127 = arith.maximumf %get3A_124, %get3A_76 : vector<16xf32>
          %min3A_128 = arith.minimumf %max3A_127, %get3A_88 : vector<16xf32>
          %max3A_129 = arith.maximumf %get3A_126, %get3A_80 : vector<16xf32>
          %min3A_130 = arith.minimumf %max3A_129, %get3A_92 : vector<16xf32>
          %sub3A = arith.subf %min3A, %get3A_72 : vector<16xf32>
          %div3A = arith.divf %sub3A, %gather3A : vector<16xf32>
          %convert_element_type3A = arith.fptosi %div3A : vector<16xf32> to vector<16xi32>
          %sub3A_131 = arith.subf %min3A_128, %get3A_76 : vector<16xf32>
          %div3A_132 = arith.divf %sub3A_131, %gather3A_64 : vector<16xf32>
          %convert_element_type3A_133 = arith.fptosi %div3A_132 : vector<16xf32> to vector<16xi32>
          %sub3A_134 = arith.subf %min3A_130, %get3A_80 : vector<16xf32>
          %div3A_135 = arith.divf %sub3A_134, %gather3A_68 : vector<16xf32>
          %convert_element_type3A_136 = arith.fptosi %div3A_135 : vector<16xf32> to vector<16xi32>
          %convert_element_type3A_137 = arith.sitofp %convert_element_type3A : vector<16xi32> to vector<16xf32>
          %mul3A_138 = arith.mulf %convert_element_type3A_137, %gather3A : vector<16xf32>
          %add3A_139 = arith.addf %mul3A_138, %get3A_72 : vector<16xf32>
          %convert_element_type3A_140 = arith.sitofp %convert_element_type3A_133 : vector<16xi32> to vector<16xf32>
          %mul3A_141 = arith.mulf %convert_element_type3A_140, %gather3A_64 : vector<16xf32>
          %add3A_142 = arith.addf %mul3A_141, %get3A_76 : vector<16xf32>
          %convert_element_type3A_143 = arith.sitofp %convert_element_type3A_136 : vector<16xi32> to vector<16xf32>
          %mul3A_144 = arith.mulf %convert_element_type3A_143, %gather3A_68 : vector<16xf32>
          %add3A_145 = arith.addf %mul3A_144, %get3A_80 : vector<16xf32>
          %sub3A_146 = arith.subf %get3A_122, %add3A_139 : vector<16xf32>
          %add3A_147 = arith.addf %add3A_139, %gather3A : vector<16xf32>
          %sub3A_148 = arith.subf %add3A_147, %add3A_139 : vector<16xf32>
          %div3A_149 = arith.divf %sub3A_146, %sub3A_148 : vector<16xf32>
          %swap3A = arith.index_cast %mul3A_120 : i32 to index
          %swap3A_150 = tpu.vector_load %arg13[%swap3A] {strides = array<i32>} : memref<256xf32, #tpu.memory_space<vmem>>, vector<16xf32>,
          tpu.vector_store %arg13[%swap3A], %div3A_149 {strides = array<i32>} : memref<256xf32, #tpu.memory_space<vmem>>, vector<16xf32>,
          %sub3A_151 = arith.subf %get3A_124, %add3A_142 : vector<16xf32>
          %add3A_152 = arith.addf %add3A_142, %gather3A_64 : vector<16xf32>
          %sub3A_153 = arith.subf %add3A_152, %add3A_142 : vector<16xf32>
          %div3A_154 = arith.divf %sub3A_151, %sub3A_153 : vector<16xf32>
          %swap3A_155 = arith.index_cast %mul3A_120 : i32 to index
          %swap3A_156 = tpu.vector_load %arg14[%swap3A_155] {strides = array<i32>} : memref<256xf32, #tpu.memory_space<vmem>>, vector<16xf32>,
          tpu.vector_store %arg14[%swap3A_155], %div3A_154 {strides = array<i32>} : memref<256xf32, #tpu.memory_space<vmem>>, vector<16xf32>,
          %sub3A_157 = arith.subf %get3A_126, %add3A_145 : vector<16xf32>
          %add3A_158 = arith.addf %add3A_145, %gather3A_68 : vector<16xf32>
          %sub3A_159 = arith.subf %add3A_158, %add3A_145 : vector<16xf32>
          %div3A_160 = arith.divf %sub3A_157, %sub3A_159 : vector<16xf32>
          %swap3A_161 = arith.index_cast %mul3A_120 : i32 to index
          %swap3A_162 = tpu.vector_load %arg15[%swap3A_161] {strides = array<i32>} : memref<256xf32, #tpu.memory_space<vmem>>, vector<16xf32>,
          tpu.vector_store %arg15[%swap3A_161], %div3A_160 {strides = array<i32>} : memref<256xf32, #tpu.memory_space<vmem>>, vector<16xf32>,
          %add3A_163 = arith.constant 1 : i32
          %add3A_164 = vector.broadcast %add3A_163 : i32 to vector<16xi32>
          %add3A_165 = arith.addi %convert_element_type3A, %add3A_164 : vector<16xi32>
          %mul3A_166 = arith.constant -1640531535 : i32
          %mul3A_167 = vector.broadcast %mul3A_166 : i32 to vector<16xi32>
          %mul3A_168 = arith.muli %convert_element_type3A_133, %mul3A_167 : vector<16xi32>
          %add3A_169 = arith.constant -1640531535 : i32
          %add3A_170 = vector.broadcast %add3A_169 : i32 to vector<16xi32>
          %add3A_171 = arith.addi %mul3A_168, %add3A_170 : vector<16xi32>
          %mul3A_172 = arith.constant 805459861 : i32
          %mul3A_173 = vector.broadcast %mul3A_172 : i32 to vector<16xi32>
          %mul3A_174 = arith.muli %convert_element_type3A_136, %mul3A_173 : vector<16xi32>
          %add3A_175 = arith.constant 805459861 : i32
          %add3A_176 = vector.broadcast %add3A_175 : i32 to vector<16xi32>
          %add3A_177 = arith.addi %mul3A_174, %add3A_176 : vector<16xi32>
          %xor3A = arith.xori %convert_element_type3A, %mul3A_168 : vector<16xi32>
          %xor3A_178 = arith.xori %xor3A, %mul3A_174 : vector<16xi32>
          %and3A_179 = arith.constant 524287 : i32
          %and3A_180 = vector.broadcast %and3A_179 : i32 to vector<16xi32>
          %and3A_181 = arith.andi %xor3A_178, %and3A_180 : vector<16xi32>
          %add3A_182 = arith.constant 0 : i32
          %add3A_183 = arith.addi %add3A_182, %mul3A_120 : i32
          %shift_right_arithmetic3A_184 = arith.constant 2 : i32
          %shift_right_arithmetic3A_185 = vector.broadcast %shift_right_arithmetic3A_184 : i32 to vector<16xi32>
          %shift_right_arithmetic3A_186 = arith.shrsi %and3A_181, %shift_right_arithmetic3A_185 : vector<16xi32>
          %add3A_187 = vector.broadcast %shift_left3A_93 : i32 to vector<16xi32>
          %add3A_188 = arith.addi %add3A_187, %shift_right_arithmetic3A_186 : vector<16xi32>
          %swap3A_189 = arith.index_cast %add3A_183 : i32 to index
          %swap3A_190 = tpu.vector_load %arg20[%swap3A_189] {strides = array<i32>} : memref<2048xi32, #tpu.memory_space<vmem>>, vector<16xi32>,
          tpu.vector_store %arg20[%swap3A_189], %add3A_188 {strides = array<i32>} : memref<2048xi32, #tpu.memory_space<vmem>>, vector<16xi32>,
          %and3A_191 = arith.constant 3 : i32
          %and3A_192 = vector.broadcast %and3A_191 : i32 to vector<16xi32>
          %and3A_193 = arith.andi %and3A_181, %and3A_192 : vector<16xi32>
          %mul3A_194 = arith.constant 2 : i32
          %mul3A_195 = vector.broadcast %mul3A_194 : i32 to vector<16xi32>
          %mul3A_196 = arith.muli %and3A_193, %mul3A_195 : vector<16xi32>
          %swap3A_197 = arith.index_cast %add3A_183 : i32 to index
          %swap3A_198 = tpu.vector_load %arg22[%swap3A_197] {strides = array<i32>} : memref<2048xi32, #tpu.memory_space<vmem>>, vector<16xi32>,
          tpu.vector_store %arg22[%swap3A_197], %mul3A_196 {strides = array<i32>} : memref<2048xi32, #tpu.memory_space<vmem>>, vector<16xi32>,
          %xor3A_199 = arith.xori %convert_element_type3A, %mul3A_168 : vector<16xi32>
          %xor3A_200 = arith.xori %xor3A_199, %add3A_177 : vector<16xi32>
          %and3A_201 = arith.constant 524287 : i32
          %and3A_202 = vector.broadcast %and3A_201 : i32 to vector<16xi32>
          %and3A_203 = arith.andi %xor3A_200, %and3A_202 : vector<16xi32>
          %add3A_204 = arith.constant 256 : i32
          %add3A_205 = arith.addi %add3A_204, %mul3A_120 : i32
          %shift_right_arithmetic3A_206 = arith.constant 2 : i32
          %shift_right_arithmetic3A_207 = vector.broadcast %shift_right_arithmetic3A_206 : i32 to vector<16xi32>
          %shift_right_arithmetic3A_208 = arith.shrsi %and3A_203, %shift_right_arithmetic3A_207 : vector<16xi32>
          %add3A_209 = vector.broadcast %shift_left3A_93 : i32 to vector<16xi32>
          %add3A_210 = arith.addi %add3A_209, %shift_right_arithmetic3A_208 : vector<16xi32>
          %swap3A_211 = arith.index_cast %add3A_205 : i32 to index
          %swap3A_212 = tpu.vector_load %arg20[%swap3A_211] {strides = array<i32>} : memref<2048xi32, #tpu.memory_space<vmem>>, vector<16xi32>,
          tpu.vector_store %arg20[%swap3A_211], %add3A_210 {strides = array<i32>} : memref<2048xi32, #tpu.memory_space<vmem>>, vector<16xi32>,
          %and3A_213 = arith.constant 3 : i32
          %and3A_214 = vector.broadcast %and3A_213 : i32 to vector<16xi32>
          %and3A_215 = arith.andi %and3A_203, %and3A_214 : vector<16xi32>
          %mul3A_216 = arith.constant 2 : i32
          %mul3A_217 = vector.broadcast %mul3A_216 : i32 to vector<16xi32>
          %mul3A_218 = arith.muli %and3A_215, %mul3A_217 : vector<16xi32>
          %swap3A_219 = arith.index_cast %add3A_205 : i32 to index
          %swap3A_220 = tpu.vector_load %arg22[%swap3A_219] {strides = array<i32>} : memref<2048xi32, #tpu.memory_space<vmem>>, vector<16xi32>,
          tpu.vector_store %arg22[%swap3A_219], %mul3A_218 {strides = array<i32>} : memref<2048xi32, #tpu.memory_space<vmem>>, vector<16xi32>,
          %xor3A_221 = arith.xori %convert_element_type3A, %add3A_171 : vector<16xi32>
          %xor3A_222 = arith.xori %xor3A_221, %mul3A_174 : vector<16xi32>
          %and3A_223 = arith.constant 524287 : i32
          %and3A_224 = vector.broadcast %and3A_223 : i32 to vector<16xi32>
          %and3A_225 = arith.andi %xor3A_222, %and3A_224 : vector<16xi32>
          %add3A_226 = arith.constant 512 : i32
          %add3A_227 = arith.addi %add3A_226, %mul3A_120 : i32
          %shift_right_arithmetic3A_228 = arith.constant 2 : i32
          %shift_right_arithmetic3A_229 = vector.broadcast %shift_right_arithmetic3A_228 : i32 to vector<16xi32>
          %shift_right_arithmetic3A_230 = arith.shrsi %and3A_225, %shift_right_arithmetic3A_229 : vector<16xi32>
          %add3A_231 = vector.broadcast %shift_left3A_93 : i32 to vector<16xi32>
          %add3A_232 = arith.addi %add3A_231, %shift_right_arithmetic3A_230 : vector<16xi32>
          %swap3A_233 = arith.index_cast %add3A_227 : i32 to index
          %swap3A_234 = tpu.vector_load %arg20[%swap3A_233] {strides = array<i32>} : memref<2048xi32, #tpu.memory_space<vmem>>, vector<16xi32>,
          tpu.vector_store %arg20[%swap3A_233], %add3A_232 {strides = array<i32>} : memref<2048xi32, #tpu.memory_space<vmem>>, vector<16xi32>,
          %and3A_235 = arith.constant 3 : i32
          %and3A_236 = vector.broadcast %and3A_235 : i32 to vector<16xi32>
          %and3A_237 = arith.andi %and3A_225, %and3A_236 : vector<16xi32>
          %mul3A_238 = arith.constant 2 : i32
          %mul3A_239 = vector.broadcast %mul3A_238 : i32 to vector<16xi32>
          %mul3A_240 = arith.muli %and3A_237, %mul3A_239 : vector<16xi32>
          %swap3A_241 = arith.index_cast %add3A_227 : i32 to index
          %swap3A_242 = tpu.vector_load %arg22[%swap3A_241] {strides = array<i32>} : memref<2048xi32, #tpu.memory_space<vmem>>, vector<16xi32>,
          tpu.vector_store %arg22[%swap3A_241], %mul3A_240 {strides = array<i32>} : memref<2048xi32, #tpu.memory_space<vmem>>, vector<16xi32>,
          %xor3A_243 = arith.xori %convert_element_type3A, %add3A_171 : vector<16xi32>
          %xor3A_244 = arith.xori %xor3A_243, %add3A_177 : vector<16xi32>
          %and3A_245 = arith.constant 524287 : i32
          %and3A_246 = vector.broadcast %and3A_245 : i32 to vector<16xi32>
          %and3A_247 = arith.andi %xor3A_244, %and3A_246 : vector<16xi32>
          %add3A_248 = arith.constant 768 : i32
          %add3A_249 = arith.addi %add3A_248, %mul3A_120 : i32
          %shift_right_arithmetic3A_250 = arith.constant 2 : i32
          %shift_right_arithmetic3A_251 = vector.broadcast %shift_right_arithmetic3A_250 : i32 to vector<16xi32>
          %shift_right_arithmetic3A_252 = arith.shrsi %and3A_247, %shift_right_arithmetic3A_251 : vector<16xi32>
          %add3A_253 = vector.broadcast %shift_left3A_93 : i32 to vector<16xi32>
          %add3A_254 = arith.addi %add3A_253, %shift_right_arithmetic3A_252 : vector<16xi32>
          %swap3A_255 = arith.index_cast %add3A_249 : i32 to index
          %swap3A_256 = tpu.vector_load %arg20[%swap3A_255] {strides = array<i32>} : memref<2048xi32, #tpu.memory_space<vmem>>, vector<16xi32>,
          tpu.vector_store %arg20[%swap3A_255], %add3A_254 {strides = array<i32>} : memref<2048xi32, #tpu.memory_space<vmem>>, vector<16xi32>,
          %and3A_257 = arith.constant 3 : i32
          %and3A_258 = vector.broadcast %and3A_257 : i32 to vector<16xi32>
          %and3A_259 = arith.andi %and3A_247, %and3A_258 : vector<16xi32>
          %mul3A_260 = arith.constant 2 : i32
          %mul3A_261 = vector.broadcast %mul3A_260 : i32 to vector<16xi32>
          %mul3A_262 = arith.muli %and3A_259, %mul3A_261 : vector<16xi32>
          %swap3A_263 = arith.index_cast %add3A_249 : i32 to index
          %swap3A_264 = tpu.vector_load %arg22[%swap3A_263] {strides = array<i32>} : memref<2048xi32, #tpu.memory_space<vmem>>, vector<16xi32>,
          tpu.vector_store %arg22[%swap3A_263], %mul3A_262 {strides = array<i32>} : memref<2048xi32, #tpu.memory_space<vmem>>, vector<16xi32>,
          %xor3A_265 = arith.xori %add3A_165, %mul3A_168 : vector<16xi32>
          %xor3A_266 = arith.xori %xor3A_265, %mul3A_174 : vector<16xi32>
          %and3A_267 = arith.constant 524287 : i32
          %and3A_268 = vector.broadcast %and3A_267 : i32 to vector<16xi32>
          %and3A_269 = arith.andi %xor3A_266, %and3A_268 : vector<16xi32>
          %add3A_270 = arith.constant 1024 : i32
          %add3A_271 = arith.addi %add3A_270, %mul3A_120 : i32
          %shift_right_arithmetic3A_272 = arith.constant 2 : i32
          %shift_right_arithmetic3A_273 = vector.broadcast %shift_right_arithmetic3A_272 : i32 to vector<16xi32>
          %shift_right_arithmetic3A_274 = arith.shrsi %and3A_269, %shift_right_arithmetic3A_273 : vector<16xi32>
          %add3A_275 = vector.broadcast %shift_left3A_93 : i32 to vector<16xi32>
          %add3A_276 = arith.addi %add3A_275, %shift_right_arithmetic3A_274 : vector<16xi32>
          %swap3A_277 = arith.index_cast %add3A_271 : i32 to index
          %swap3A_278 = tpu.vector_load %arg20[%swap3A_277] {strides = array<i32>} : memref<2048xi32, #tpu.memory_space<vmem>>, vector<16xi32>,
          tpu.vector_store %arg20[%swap3A_277], %add3A_276 {strides = array<i32>} : memref<2048xi32, #tpu.memory_space<vmem>>, vector<16xi32>,
          %and3A_279 = arith.constant 3 : i32
          %and3A_280 = vector.broadcast %and3A_279 : i32 to vector<16xi32>
          %and3A_281 = arith.andi %and3A_269, %and3A_280 : vector<16xi32>
          %mul3A_282 = arith.constant 2 : i32
          %mul3A_283 = vector.broadcast %mul3A_282 : i32 to vector<16xi32>
          %mul3A_284 = arith.muli %and3A_281, %mul3A_283 : vector<16xi32>
          %swap3A_285 = arith.index_cast %add3A_271 : i32 to index
          %swap3A_286 = tpu.vector_load %arg22[%swap3A_285] {strides = array<i32>} : memref<2048xi32, #tpu.memory_space<vmem>>, vector<16xi32>,
          tpu.vector_store %arg22[%swap3A_285], %mul3A_284 {strides = array<i32>} : memref<2048xi32, #tpu.memory_space<vmem>>, vector<16xi32>,
          %xor3A_287 = arith.xori %add3A_165, %mul3A_168 : vector<16xi32>
          %xor3A_288 = arith.xori %xor3A_287, %add3A_177 : vector<16xi32>
          %and3A_289 = arith.constant 524287 : i32
          %and3A_290 = vector.broadcast %and3A_289 : i32 to vector<16xi32>
          %and3A_291 = arith.andi %xor3A_288, %and3A_290 : vector<16xi32>
          %add3A_292 = arith.constant 1280 : i32
          %add3A_293 = arith.addi %add3A_292, %mul3A_120 : i32
          %shift_right_arithmetic3A_294 = arith.constant 2 : i32
          %shift_right_arithmetic3A_295 = vector.broadcast %shift_right_arithmetic3A_294 : i32 to vector<16xi32>
          %shift_right_arithmetic3A_296 = arith.shrsi %and3A_291, %shift_right_arithmetic3A_295 : vector<16xi32>
          %add3A_297 = vector.broadcast %shift_left3A_93 : i32 to vector<16xi32>
          %add3A_298 = arith.addi %add3A_297, %shift_right_arithmetic3A_296 : vector<16xi32>
          %swap3A_299 = arith.index_cast %add3A_293 : i32 to index
          %swap3A_300 = tpu.vector_load %arg20[%swap3A_299] {strides = array<i32>} : memref<2048xi32, #tpu.memory_space<vmem>>, vector<16xi32>,
          tpu.vector_store %arg20[%swap3A_299], %add3A_298 {strides = array<i32>} : memref<2048xi32, #tpu.memory_space<vmem>>, vector<16xi32>,
          %and3A_301 = arith.constant 3 : i32
          %and3A_302 = vector.broadcast %and3A_301 : i32 to vector<16xi32>
          %and3A_303 = arith.andi %and3A_291, %and3A_302 : vector<16xi32>
          %mul3A_304 = arith.constant 2 : i32
          %mul3A_305 = vector.broadcast %mul3A_304 : i32 to vector<16xi32>
          %mul3A_306 = arith.muli %and3A_303, %mul3A_305 : vector<16xi32>
          %swap3A_307 = arith.index_cast %add3A_293 : i32 to index
          %swap3A_308 = tpu.vector_load %arg22[%swap3A_307] {strides = array<i32>} : memref<2048xi32, #tpu.memory_space<vmem>>, vector<16xi32>,
          tpu.vector_store %arg22[%swap3A_307], %mul3A_306 {strides = array<i32>} : memref<2048xi32, #tpu.memory_space<vmem>>, vector<16xi32>,
          %xor3A_309 = arith.xori %add3A_165, %add3A_171 : vector<16xi32>
          %xor3A_310 = arith.xori %xor3A_309, %mul3A_174 : vector<16xi32>
          %and3A_311 = arith.constant 524287 : i32
          %and3A_312 = vector.broadcast %and3A_311 : i32 to vector<16xi32>
          %and3A_313 = arith.andi %xor3A_310, %and3A_312 : vector<16xi32>
          %add3A_314 = arith.constant 1536 : i32
          %add3A_315 = arith.addi %add3A_314, %mul3A_120 : i32
          %shift_right_arithmetic3A_316 = arith.constant 2 : i32
          %shift_right_arithmetic3A_317 = vector.broadcast %shift_right_arithmetic3A_316 : i32 to vector<16xi32>
          %shift_right_arithmetic3A_318 = arith.shrsi %and3A_313, %shift_right_arithmetic3A_317 : vector<16xi32>
          %add3A_319 = vector.broadcast %shift_left3A_93 : i32 to vector<16xi32>
          %add3A_320 = arith.addi %add3A_319, %shift_right_arithmetic3A_318 : vector<16xi32>
          %swap3A_321 = arith.index_cast %add3A_315 : i32 to index
          %swap3A_322 = tpu.vector_load %arg20[%swap3A_321] {strides = array<i32>} : memref<2048xi32, #tpu.memory_space<vmem>>, vector<16xi32>,
          tpu.vector_store %arg20[%swap3A_321], %add3A_320 {strides = array<i32>} : memref<2048xi32, #tpu.memory_space<vmem>>, vector<16xi32>,
          %and3A_323 = arith.constant 3 : i32
          %and3A_324 = vector.broadcast %and3A_323 : i32 to vector<16xi32>
          %and3A_325 = arith.andi %and3A_313, %and3A_324 : vector<16xi32>
          %mul3A_326 = arith.constant 2 : i32
          %mul3A_327 = vector.broadcast %mul3A_326 : i32 to vector<16xi32>
          %mul3A_328 = arith.muli %and3A_325, %mul3A_327 : vector<16xi32>
          %swap3A_329 = arith.index_cast %add3A_315 : i32 to index
          %swap3A_330 = tpu.vector_load %arg22[%swap3A_329] {strides = array<i32>} : memref<2048xi32, #tpu.memory_space<vmem>>, vector<16xi32>,
          tpu.vector_store %arg22[%swap3A_329], %mul3A_328 {strides = array<i32>} : memref<2048xi32, #tpu.memory_space<vmem>>, vector<16xi32>,
          %xor3A_331 = arith.xori %add3A_165, %add3A_171 : vector<16xi32>
          %xor3A_332 = arith.xori %xor3A_331, %add3A_177 : vector<16xi32>
          %and3A_333 = arith.constant 524287 : i32
          %and3A_334 = vector.broadcast %and3A_333 : i32 to vector<16xi32>
          %and3A_335 = arith.andi %xor3A_332, %and3A_334 : vector<16xi32>
          %add3A_336 = arith.constant 1792 : i32
          %add3A_337 = arith.addi %add3A_336, %mul3A_120 : i32
          %shift_right_arithmetic3A_338 = arith.constant 2 : i32
          %shift_right_arithmetic3A_339 = vector.broadcast %shift_right_arithmetic3A_338 : i32 to vector<16xi32>
          %shift_right_arithmetic3A_340 = arith.shrsi %and3A_335, %shift_right_arithmetic3A_339 : vector<16xi32>
          %add3A_341 = vector.broadcast %shift_left3A_93 : i32 to vector<16xi32>
          %add3A_342 = arith.addi %add3A_341, %shift_right_arithmetic3A_340 : vector<16xi32>
          %swap3A_343 = arith.index_cast %add3A_337 : i32 to index
          %swap3A_344 = tpu.vector_load %arg20[%swap3A_343] {strides = array<i32>} : memref<2048xi32, #tpu.memory_space<vmem>>, vector<16xi32>,
          tpu.vector_store %arg20[%swap3A_343], %add3A_342 {strides = array<i32>} : memref<2048xi32, #tpu.memory_space<vmem>>, vector<16xi32>,
          %and3A_345 = arith.constant 3 : i32
          %and3A_346 = vector.broadcast %and3A_345 : i32 to vector<16xi32>
          %and3A_347 = arith.andi %and3A_335, %and3A_346 : vector<16xi32>
          %mul3A_348 = arith.constant 2 : i32
          %mul3A_349 = vector.broadcast %mul3A_348 : i32 to vector<16xi32>
          %mul3A_350 = arith.muli %and3A_347, %mul3A_349 : vector<16xi32>
          %swap3A_351 = arith.index_cast %add3A_337 : i32 to index
          %swap3A_352 = tpu.vector_load %arg22[%swap3A_351] {strides = array<i32>} : memref<2048xi32, #tpu.memory_space<vmem>>, vector<16xi32>,
          tpu.vector_store %arg22[%swap3A_351], %mul3A_350 {strides = array<i32>} : memref<2048xi32, #tpu.memory_space<vmem>>, vector<16xi32>,
        }
        %scan3A_98 = arith.constant 16 : i32
        %scan3A_99 = arith.constant 0 : i32
        %scan3A_100 = arith.constant 16 : i32
        %scan3A_101 = arith.addi %scan3A_99, %scan3A_100 : i32
        %scan3A_102 = arith.constant 1 : i32
        scf.for %scan3A_114 = %scan3A_99 to %scan3A_101 step %scan3A_102  : i32 {
          %mul3A_115 = arith.constant 1 : i32
          %mul3A_116 = arith.muli %scan3A_114, %mul3A_115 : i32
          %add3A_117 = arith.constant 0 : i32
          %add3A_118 = arith.addi %add3A_117, %mul3A_116 : i32
          %mul3A_119 = arith.constant 128 : i32
          %mul3A_120 = arith.muli %add3A_118, %mul3A_119 : i32
          %mul3A_121 = arith.constant 128 : i32
          %mul3A_122 = arith.muli %add3A_118, %mul3A_121 : i32
          %dma_start3A = arith.constant 0 : i32
          %dma_start3A_123 = tpu.memref_slice %arg24[%mul3A_122, %dma_start3A] : memref<2048x8xf32, #tpu.memory_space<vmem>> -> memref<128x8xf32, #tpu.memory_space<vmem>>
          %dma_start3A_124 = tpu.memref_slice %arg20[%mul3A_120] : memref<2048xi32, #tpu.memory_space<vmem>> -> memref<128xi32, #tpu.memory_space<vmem>>
          %dma_start3A_125 = arith.constant 0 : i32
          %dma_start3A_126 = arith.constant 0 : i32
          %dma_start3A_127 = tpu.memref_slice %arg6[%dma_start3A_125, %dma_start3A_126] : memref<2097152x8xf32, #tpu.memory_space<hbm>> -> memref<2097152x8xf32, #tpu.memory_space<hbm>>
          tpu.enqueue_indirect_dma source(%dma_start3A_127 : memref<2097152x8xf32, #tpu.memory_space<hbm>>) target(%dma_start3A_123 : memref<128x8xf32, #tpu.memory_space<vmem>>) offsets(%dma_start3A_124 : memref<128xi32, #tpu.memory_space<vmem>>) semaphore(%arg27 : memref<!tpu.dma_semaphore, #tpu.memory_space<semaphore_mem>>)
        }
        %scan3A_103 = arith.constant 16 : i32
        %scan3A_104 = arith.constant 0 : i32
        %scan3A_105 = arith.constant 16 : i32
        %scan3A_106 = arith.addi %scan3A_104, %scan3A_105 : i32
        %scan3A_107 = arith.constant 1 : i32
        scf.for %scan3A_114 = %scan3A_104 to %scan3A_106 step %scan3A_107  : i32 {
          %mul3A_115 = arith.constant 1 : i32
          %mul3A_116 = arith.muli %scan3A_114, %mul3A_115 : i32
          %add3A_117 = arith.constant 0 : i32
          %add3A_118 = arith.addi %add3A_117, %mul3A_116 : i32
          %mul3A_119 = arith.constant 128 : i32
          %mul3A_120 = arith.muli %add3A_118, %mul3A_119 : i32
          %mul3A_121 = arith.constant 128 : i32
          %mul3A_122 = arith.muli %add3A_118, %mul3A_121 : i32
          %dma_wait3A = arith.constant 0 : i32
          %dma_wait3A_123 = tpu.memref_slice %arg24[%mul3A_122, %dma_wait3A] : memref<2048x8xf32, #tpu.memory_space<vmem>> -> memref<128x8xf32, #tpu.memory_space<vmem>>
          %dma_wait3A_124 = tpu.memref_slice %arg20[%mul3A_120] : memref<2048xi32, #tpu.memory_space<vmem>> -> memref<128xi32, #tpu.memory_space<vmem>>
          %dma_wait3A_125 = arith.constant 0 : i32
          %dma_wait3A_126 = arith.constant 0 : i32
          %dma_wait3A_127 = tpu.memref_slice %arg6[%dma_wait3A_125, %dma_wait3A_126] : memref<2097152x8xf32, #tpu.memory_space<hbm>> -> memref<2097152x8xf32, #tpu.memory_space<hbm>>
          tpu.wait_indirect_dma semaphore(%arg27 : memref<!tpu.dma_semaphore, #tpu.memory_space<semaphore_mem>>) src(%dma_wait3A_127 : memref<2097152x8xf32, #tpu.memory_space<hbm>>) dst(%dma_wait3A_123 : memref<128x8xf32, #tpu.memory_space<vmem>>)
        }
        %scan3A_108 = arith.constant 16 : i32
        %scan3A_109 = arith.constant 0 : i32
        %scan3A_110 = arith.constant 32 : i32
        %scan3A_111 = arith.addi %scan3A_109, %scan3A_110 : i32
        %scan3A_112 = arith.constant 1 : i32
        scf.for %scan3A_114 = %scan3A_109 to %scan3A_111 step %scan3A_112  : i32 {
          %mul3A_115 = arith.constant 1 : i32
          %mul3A_116 = arith.muli %scan3A_114, %mul3A_115 : i32
          %add3A_117 = arith.constant 0 : i32
          %add3A_118 = arith.addi %add3A_117, %mul3A_116 : i32
          %mul3A_119 = arith.constant 8 : i32
          %mul3A_120 = arith.muli %add3A_118, %mul3A_119 : i32
          %add3A_121 = vector.broadcast %mul3A_120 : i32 to vector<16xi32>
          %add3A_122 = arith.addi %add3A_121, %shift_right_arithmetic3A_2 : vector<16xi32>
          %mul3A_123 = arith.constant 2 : i32
          %mul3A_124 = arith.muli %mul3A_123, %add3A_59 : i32
          %add3A_125 = vector.broadcast %mul3A_124 : i32 to vector<16xi32>
          %add3A_126 = arith.addi %add3A_125, %and3A_4 : vector<16xi32>
          %gather3A_127 = tpu.vector_load_idx %arg13[%add3A_122] : memref<256xf32, #tpu.memory_space<vmem>>[vector<16xi32>], vector<16xf32>,
          %gather3A_128 = tpu.vector_load_idx %arg14[%add3A_122] : memref<256xf32, #tpu.memory_space<vmem>>[vector<16xi32>], vector<16xf32>,
          %gather3A_129 = tpu.vector_load_idx %arg15[%add3A_122] : memref<256xf32, #tpu.memory_space<vmem>>[vector<16xi32>], vector<16xf32>,
          %add3A_130 = arith.constant 0 : i32
          %add3A_131 = vector.broadcast %add3A_130 : i32 to vector<16xi32>
          %add3A_132 = arith.addi %add3A_122, %add3A_131 : vector<16xi32>
          %gather3A_133 = tpu.vector_load_idx %arg22[%add3A_132] : memref<2048xi32, #tpu.memory_space<vmem>>[vector<16xi32>], vector<16xi32>,
          %add3A_134 = arith.addi %gather3A_133, %and3A_4 : vector<16xi32>
          %gather3A_135 = tpu.vector_load_idx %arg24[%add3A_132, %add3A_134] : memref<2048x8xf32, #tpu.memory_space<vmem>>[vector<16xi32>, vector<16xi32>], vector<16xf32>,
          %add3A_136 = arith.constant 256 : i32
          %add3A_137 = vector.broadcast %add3A_136 : i32 to vector<16xi32>
          %add3A_138 = arith.addi %add3A_122, %add3A_137 : vector<16xi32>
          %gather3A_139 = tpu.vector_load_idx %arg22[%add3A_138] : memref<2048xi32, #tpu.memory_space<vmem>>[vector<16xi32>], vector<16xi32>,
          %add3A_140 = arith.addi %gather3A_139, %and3A_4 : vector<16xi32>
          %gather3A_141 = tpu.vector_load_idx %arg24[%add3A_138, %add3A_140] : memref<2048x8xf32, #tpu.memory_space<vmem>>[vector<16xi32>, vector<16xi32>], vector<16xf32>,
          %add3A_142 = arith.constant 512 : i32
          %add3A_143 = vector.broadcast %add3A_142 : i32 to vector<16xi32>
          %add3A_144 = arith.addi %add3A_122, %add3A_143 : vector<16xi32>
          %gather3A_145 = tpu.vector_load_idx %arg22[%add3A_144] : memref<2048xi32, #tpu.memory_space<vmem>>[vector<16xi32>], vector<16xi32>,
          %add3A_146 = arith.addi %gather3A_145, %and3A_4 : vector<16xi32>
          %gather3A_147 = tpu.vector_load_idx %arg24[%add3A_144, %add3A_146] : memref<2048x8xf32, #tpu.memory_space<vmem>>[vector<16xi32>, vector<16xi32>], vector<16xf32>,
          %add3A_148 = arith.constant 768 : i32
          %add3A_149 = vector.broadcast %add3A_148 : i32 to vector<16xi32>
          %add3A_150 = arith.addi %add3A_122, %add3A_149 : vector<16xi32>
          %gather3A_151 = tpu.vector_load_idx %arg22[%add3A_150] : memref<2048xi32, #tpu.memory_space<vmem>>[vector<16xi32>], vector<16xi32>,
          %add3A_152 = arith.addi %gather3A_151, %and3A_4 : vector<16xi32>
          %gather3A_153 = tpu.vector_load_idx %arg24[%add3A_150, %add3A_152] : memref<2048x8xf32, #tpu.memory_space<vmem>>[vector<16xi32>, vector<16xi32>], vector<16xf32>,
          %add3A_154 = arith.constant 1024 : i32
          %add3A_155 = vector.broadcast %add3A_154 : i32 to vector<16xi32>
          %add3A_156 = arith.addi %add3A_122, %add3A_155 : vector<16xi32>
          %gather3A_157 = tpu.vector_load_idx %arg22[%add3A_156] : memref<2048xi32, #tpu.memory_space<vmem>>[vector<16xi32>], vector<16xi32>,
          %add3A_158 = arith.addi %gather3A_157, %and3A_4 : vector<16xi32>
          %gather3A_159 = tpu.vector_load_idx %arg24[%add3A_156, %add3A_158] : memref<2048x8xf32, #tpu.memory_space<vmem>>[vector<16xi32>, vector<16xi32>], vector<16xf32>,
          %add3A_160 = arith.constant 1280 : i32
          %add3A_161 = vector.broadcast %add3A_160 : i32 to vector<16xi32>
          %add3A_162 = arith.addi %add3A_122, %add3A_161 : vector<16xi32>
          %gather3A_163 = tpu.vector_load_idx %arg22[%add3A_162] : memref<2048xi32, #tpu.memory_space<vmem>>[vector<16xi32>], vector<16xi32>,
          %add3A_164 = arith.addi %gather3A_163, %and3A_4 : vector<16xi32>
          %gather3A_165 = tpu.vector_load_idx %arg24[%add3A_162, %add3A_164] : memref<2048x8xf32, #tpu.memory_space<vmem>>[vector<16xi32>, vector<16xi32>], vector<16xf32>,
          %add3A_166 = arith.constant 1536 : i32
          %add3A_167 = vector.broadcast %add3A_166 : i32 to vector<16xi32>
          %add3A_168 = arith.addi %add3A_122, %add3A_167 : vector<16xi32>
          %gather3A_169 = tpu.vector_load_idx %arg22[%add3A_168] : memref<2048xi32, #tpu.memory_space<vmem>>[vector<16xi32>], vector<16xi32>,
          %add3A_170 = arith.addi %gather3A_169, %and3A_4 : vector<16xi32>
          %gather3A_171 = tpu.vector_load_idx %arg24[%add3A_168, %add3A_170] : memref<2048x8xf32, #tpu.memory_space<vmem>>[vector<16xi32>, vector<16xi32>], vector<16xf32>,
          %add3A_172 = arith.constant 1792 : i32
          %add3A_173 = vector.broadcast %add3A_172 : i32 to vector<16xi32>
          %add3A_174 = arith.addi %add3A_122, %add3A_173 : vector<16xi32>
          %gather3A_175 = tpu.vector_load_idx %arg22[%add3A_174] : memref<2048xi32, #tpu.memory_space<vmem>>[vector<16xi32>], vector<16xi32>,
          %add3A_176 = arith.addi %gather3A_175, %and3A_4 : vector<16xi32>
          %gather3A_177 = tpu.vector_load_idx %arg24[%add3A_174, %add3A_176] : memref<2048x8xf32, #tpu.memory_space<vmem>>[vector<16xi32>, vector<16xi32>], vector<16xf32>,
          %sub3A = arith.constant 1.000000e+00 : f32
          %sub3A_178 = vector.broadcast %sub3A : f32 to vector<16xf32>
          %sub3A_179 = arith.subf %sub3A_178, %gather3A_127 : vector<16xf32>
          %sub3A_180 = arith.constant 1.000000e+00 : f32
          %sub3A_181 = vector.broadcast %sub3A_180 : f32 to vector<16xf32>
          %sub3A_182 = arith.subf %sub3A_181, %gather3A_128 : vector<16xf32>
          %sub3A_183 = arith.constant 1.000000e+00 : f32
          %sub3A_184 = vector.broadcast %sub3A_183 : f32 to vector<16xf32>
          %sub3A_185 = arith.subf %sub3A_184, %gather3A_129 : vector<16xf32>
          %mul3A_186 = arith.mulf %gather3A_135, %sub3A_179 : vector<16xf32>
          %mul3A_187 = arith.mulf %gather3A_159, %gather3A_127 : vector<16xf32>
          %add3A_188 = arith.addf %mul3A_186, %mul3A_187 : vector<16xf32>
          %mul3A_189 = arith.mulf %gather3A_141, %sub3A_179 : vector<16xf32>
          %mul3A_190 = arith.mulf %gather3A_165, %gather3A_127 : vector<16xf32>
          %add3A_191 = arith.addf %mul3A_189, %mul3A_190 : vector<16xf32>
          %mul3A_192 = arith.mulf %gather3A_147, %sub3A_179 : vector<16xf32>
          %mul3A_193 = arith.mulf %gather3A_171, %gather3A_127 : vector<16xf32>
          %add3A_194 = arith.addf %mul3A_192, %mul3A_193 : vector<16xf32>
          %mul3A_195 = arith.mulf %gather3A_153, %sub3A_179 : vector<16xf32>
          %mul3A_196 = arith.mulf %gather3A_177, %gather3A_127 : vector<16xf32>
          %add3A_197 = arith.addf %mul3A_195, %mul3A_196 : vector<16xf32>
          %mul3A_198 = arith.mulf %add3A_188, %sub3A_182 : vector<16xf32>
          %mul3A_199 = arith.mulf %add3A_194, %gather3A_128 : vector<16xf32>
          %add3A_200 = arith.addf %mul3A_198, %mul3A_199 : vector<16xf32>
          %mul3A_201 = arith.mulf %add3A_191, %sub3A_182 : vector<16xf32>
          %mul3A_202 = arith.mulf %add3A_197, %gather3A_128 : vector<16xf32>
          %add3A_203 = arith.addf %mul3A_201, %mul3A_202 : vector<16xf32>
          %mul3A_204 = arith.mulf %add3A_200, %sub3A_185 : vector<16xf32>
          %mul3A_205 = arith.mulf %add3A_203, %gather3A_129 : vector<16xf32>
          %add3A_206 = arith.addf %mul3A_204, %mul3A_205 : vector<16xf32>
          tpu.vector_store_idx %arg26[%add3A_122, %add3A_126], %add3A_206 : memref<256x32xf32, #tpu.memory_space<vmem>>[vector<16xi32>, vector<16xi32>], vector<16xf32>,
        }
        %scan3A_113 = arith.constant 32 : i32
      }
      %scan3A_54 = arith.constant 16 : i32
      "tpu.region"() ({
        %run_scoped3A = tpu.sem_alloc : memref<!tpu.dma_semaphore, #tpu.memory_space<semaphore_mem>>
        %dma_start3A = arith.constant 0 : i32
        %dma_start3A_55 = tpu.memref_slice %arg7[%add3A_21, %dma_start3A] : memref<262144x32xf32, #tpu.memory_space<hbm>> -> memref<256x32xf32, #tpu.memory_space<hbm>>
        %dma_start3A_56 = arith.constant 0 : i32
        %dma_start3A_57 = tpu.memref_slice %arg7[%add3A_21, %dma_start3A_56] : memref<262144x32xf32, #tpu.memory_space<hbm>> -> memref<256x32xf32, #tpu.memory_space<hbm>>
        tpu.enqueue_dma source(%arg26 : memref<256x32xf32, #tpu.memory_space<vmem>>) target(%dma_start3A_57 : memref<256x32xf32, #tpu.memory_space<hbm>>) target_semaphore(%run_scoped3A : memref<!tpu.dma_semaphore, #tpu.memory_space<semaphore_mem>>)
        %dma_wait3A = arith.constant 0 : i32
        %dma_wait3A_58 = tpu.memref_slice %arg7[%add3A_21, %dma_wait3A] : memref<262144x32xf32, #tpu.memory_space<hbm>> -> memref<256x32xf32, #tpu.memory_space<hbm>>
        %dma_wait3A_59 = arith.constant 0 : i32
        %dma_wait3A_60 = tpu.memref_slice %arg7[%add3A_21, %dma_wait3A_59] : memref<262144x32xf32, #tpu.memory_space<hbm>> -> memref<256x32xf32, #tpu.memory_space<hbm>>
        tpu.wait_dma2 semaphore(%run_scoped3A : memref<!tpu.dma_semaphore, #tpu.memory_space<semaphore_mem>>) src(%arg26 : memref<256x32xf32, #tpu.memory_space<vmem>>) dst(%dma_wait3A_60 : memref<256x32xf32, #tpu.memory_space<hbm>>)
        tpu.yield
      }) : () -> ()
      "tpu.region"() ({
        %run_scoped3A = tpu.sem_alloc : memref<!tpu.dma_semaphore, #tpu.memory_space<semaphore_mem>>
        %dma_start3A = tpu.memref_slice %arg8[%add3A_21] : memref<262144xi32, #tpu.memory_space<hbm>> -> memref<256xi32, #tpu.memory_space<hbm>>
        %dma_start3A_55 = tpu.memref_slice %arg8[%add3A_21] : memref<262144xi32, #tpu.memory_space<hbm>> -> memref<256xi32, #tpu.memory_space<hbm>>
        tpu.enqueue_dma source(%arg19 : memref<256xi32, #tpu.memory_space<vmem>>) target(%dma_start3A_55 : memref<256xi32, #tpu.memory_space<hbm>>) target_semaphore(%run_scoped3A : memref<!tpu.dma_semaphore, #tpu.memory_space<semaphore_mem>>)
        %dma_wait3A = tpu.memref_slice %arg8[%add3A_21] : memref<262144xi32, #tpu.memory_space<hbm>> -> memref<256xi32, #tpu.memory_space<hbm>>
        %dma_wait3A_56 = tpu.memref_slice %arg8[%add3A_21] : memref<262144xi32, #tpu.memory_space<hbm>> -> memref<256xi32, #tpu.memory_space<hbm>>
        tpu.wait_dma2 semaphore(%run_scoped3A : memref<!tpu.dma_semaphore, #tpu.memory_space<semaphore_mem>>) src(%arg19 : memref<256xi32, #tpu.memory_space<vmem>>) dst(%dma_wait3A_56 : memref<256xi32, #tpu.memory_space<hbm>>)
        tpu.yield
      }) : () -> ()
    }
    %scan3A_11 = arith.constant 32 : i32
    return
  }
}

</mosaic_0001>

<sc_bundles>
// kernel: kernel.3.cloned.1.call-start
scs
__scs_entry_jumppad:
0x0: {  	(pc) =	sbr.rel $0x88, $3  }
0x1: {  	(tag) =	ssettag $0x0;
	lr =	simm.s32 $0x1  }
0x2: {  	[smem:$0x3F9D] =	sst lr;
	_ =	strace $0xD0000000  }
0x3: {  	_ = 	snop  }
0x4: {  	_ = 	snop  }
0x5: {  	_ = 	snop  }
0x6: {  	_ = 	snop  }
0x7: {  	_ = 	snop  }
__scs_overlays_trampoline_lowered:
0x8: {  	[smem:$0x3FAC] =	sst s0  }
0x9: {  	[smem:$0x3FAD] =	sst s1  }
0xa: {  	[smem:$0x3FAE] =	sst s2  }
0xb: {  	[smem:$0x3FAF] =	sst s3  }
0xc: {  	[smem:$0x3FB0] =	sst s4  }
0xd: {  	[smem:$0x3FB1] =	sst s5  }
0xe: {  	[smem:$0x3FB2] =	sst s6  }
0xf: {  	[smem:$0x3FB3] =	sst s7  }
0x10: {  	[smem:$0x3FB4] =	sst s8  }
0x11: {  	[smem:$0x3FB5] =	sst s9;
	s0 =	simm.s32 @!p0 $0x0  }
0x12: {  	s1 =	sld [smem:$0x3F9B];
	s0 =	simm.s32 @p0 $0x1  }
0x13: {  	[smem:$0x3FB6] =	sst s0;
	s0 =	simm.s32 @!p1 $0x0  }
0x14: {  	s2 =	sld [smem:$0x3F9A];
	s0 =	simm.s32 @p1 $0x1  }
0x15: {  	[smem:$0x3FB7] =	sst s0;
	s0 =	simm.s32 @!p2 $0x0  }
0x16: {  	s3 =	sld [smem:$0x3FDB];
	s0 =	simm.s32 @p2 $0x1  }
0x17: {  	s4 =	simm.s32 $0x1BF5;
	[smem:$0x3FB9] =	sst s0  }
0x18: {  	s0 =	sld [smem:$0x3F9C];
	_ =	swait.ge [sflag:s4], $0x0  }
0x19: {  	s7 =	sld [smem:$0x3F9D]  }
0x1a: {  	s8 =	sadd.s32 $0xFFFFE003, lr  }
0x1b: {  	s9 =	sadd.s32 $0xFFFFFEF7, lr;
	s5 =	simm.s32 $0xFFFFFFFF;
	p2 =	slt.u32 s8, $0xFFFFF086  }
0x1c: {  	p1 =	slt.u32 s9, $0xF7A;
	s5 =	simm.s32 @!p2 $0x0  }
0x1d: {  	s5 =	simm.s32 @p1 $0x1;
	p0 =	seq.s32 s7, s2  }
0x1e: {  	s7 =	smul.u32 @!p0 $0xF7A, s2;
	p2 =	seq.s32 @!p0 s5, $0x0  }
0x1f: {  	s9 =	smul.u32 $0xF7A, s1;
	s8 =	simm.s32 @!p0 $0x1BF5;
	p2 =	por !p2, p0  }
0x20: {  	[sflag:s8] =	ssyncset.s32 @!p0 $0xFFFFF086;
	s6 =	sadd.s32 @!p0 s3, s7;
	s7 =	simm.s32 @!p0 $0x108  }
0x21: {  	s3 =	sadd.s32 s3, s9;
	s6 =	sadd.s32 @!p0 $0x88, s6;
	s7 =	simm.s32 @p2 $0x1082  }
0x22: {  	[simem:s7], [sflag:s8] =	dma.local @!p0 [hbm:s6], $0xF7A  }
0x23: {  	s9 =	sor.u32 $0xD0000000, s2;
	s6 =	simm.s32 $0x108;
	_ =	swait.ge @!p0 [sflag:s8], $0x0  }
0x24: {  	s3 =	sadd.s32 $0x88, s3;
	s6 =	simm.s32 @!p1 $0x1082;
	[sflag:s4] =	ssyncset.s32 $0xFFFFF086  }
0x25: {  	[simem:s6], [sflag:s4] =	dma.local [hbm:s3], $0xF7A  }
0x26: {  	[smem:$0x3F9D] =	sst s1;
	(tag) =	ssettag s2;
	_ =	strace s9  }
0x27: {  	s1 =	sld [smem:$0x3FAD]  }
0x28: {  	s2 =	sld [smem:$0x3FAE]  }
0x29: {  	s4 =	sld [smem:$0x3FB0]  }
0x2a: {  	p0 =	seq.s32 s5, $0x0;
	s5 =	sld [smem:$0x3FB1]  }
0x2b: {  	s6 =	sld [smem:$0x3FB2]  }
0x2c: {  	s7 =	sld [smem:$0x3FB3]  }
0x2d: {  	s3 =	simm.s32 $0x108;
	s8 =	sld [smem:$0x3FB4]  }
0x2e: {  	s3 =	simm.s32 @!p0 $0x1082;
	s9 =	sld [smem:$0x3FB5]  }
0x2f: {  	lr =	sadd.s32 s0, s3;
	s0 =	sld [smem:$0x3FAC]  }
0x30: {  	s3 =	sld [smem:$0x3FAF]  }
0x31: {  	[smem:$0x3FB8] =	sst s10  }
0x32: {  	s10 =	sld [smem:$0x3FB6];
	_ =	sdelay $0x3  }
0x33: {  	p0 =	seq.s32 s10, $0x1;
	s10 =	sld [smem:$0x3FB8];
	_ =	sdelay $0x3  }
0x34: {  	[smem:$0x3FB8] =	sst s10  }
0x35: {  	s10 =	sld [smem:$0x3FB7];
	_ =	sdelay $0x3  }
0x36: {  	p1 =	seq.s32 s10, $0x1;
	s10 =	sld [smem:$0x3FB8];
	_ =	sdelay $0x3  }
0x37: {  	[smem:$0x3FB8] =	sst s10  }
0x38: {  	s10 =	sld [smem:$0x3FB9]  }
0x39: {  	_ = 	snop;
	(pc) =	sbr.ind lr, $3  }
0x3a: {  	_ = 	snop  }
0x3b: {  	_ = 	snop  }
0x3c: {  	p2 =	seq.s32 s10, $0x1;
	s10 =	sld [smem:$0x3FB8]  }
0x3d: {  	_ =	shalt  }
0x3e: {  	_ =	shalt  }
0x3f: {  	_ =	shalt  }
0x40: {  	_ =	shalt  }
0x41: {  	_ =	shalt  }
0x42: {  	_ =	shalt  }
0x43: {  	_ =	shalt  }
0x44: {  	_ =	shalt  }
0x45: {  	_ =	shalt  }
0x46: {  	_ =	shalt  }
0x47: {  	_ =	shalt  }
0x48: {  	_ =	shalt  }
0x49: {  	_ =	shalt  }
0x4a: {  	_ =	shalt  }
0x4b: {  	_ =	shalt  }
0x4c: {  	_ =	shalt  }
0x4d: {  	_ =	shalt  }
0x4e: {  	_ =	shalt  }
0x4f: {  	_ =	shalt  }
0x50: {  	_ =	shalt  }
0x51: {  	_ =	shalt  }
0x52: {  	_ =	shalt  }
0x53: {  	_ =	shalt  }
0x54: {  	_ =	shalt  }
0x55: {  	_ =	shalt  }
0x56: {  	_ =	shalt  }
0x57: {  	_ =	shalt  }
0x58: {  	_ =	shalt  }
0x59: {  	_ =	shalt  }
0x5a: {  	_ =	shalt  }
0x5b: {  	_ =	shalt  }
0x5c: {  	_ =	shalt  }
0x5d: {  	_ =	shalt  }
0x5e: {  	_ =	shalt  }
0x5f: {  	_ =	shalt  }
0x60: {  	_ =	shalt  }
0x61: {  	_ =	shalt  }
0x62: {  	_ =	shalt  }
0x63: {  	_ =	shalt  }
0x64: {  	_ =	shalt  }
0x65: {  	_ =	shalt  }
0x66: {  	_ =	shalt  }
0x67: {  	_ =	shalt  }
0x68: {  	_ =	shalt  }
0x69: {  	_ =	shalt  }
0x6a: {  	_ =	shalt  }
0x6b: {  	_ =	shalt  }
0x6c: {  	_ =	shalt  }
0x6d: {  	_ =	shalt  }
0x6e: {  	_ =	shalt  }
0x6f: {  	_ =	shalt  }
0x70: {  	_ =	shalt  }
0x71: {  	_ =	shalt  }
0x72: {  	_ =	shalt  }
0x73: {  	_ =	shalt  }
0x74: {  	_ =	shalt  }
0x75: {  	_ =	shalt  }
0x76: {  	_ =	shalt  }
0x77: {  	_ =	shalt  }
0x78: {  	_ =	shalt  }
0x79: {  	_ =	shalt  }
0x7a: {  	_ =	shalt  }
0x7b: {  	_ =	shalt  }
0x7c: {  	_ =	shalt  }
0x7d: {  	_ =	shalt  }
0x7e: {  	_ =	shalt  }
0x7f: {  	_ =	shalt  }
0x80: {  	_ =	shalt  }
0x81: {  	_ =	shalt  }
0x82: {  	_ =	shalt  }
0x83: {  	_ =	shalt  }
0x84: {  	_ =	shalt  }
0x85: {  	_ =	shalt  }
0x86: {  	_ =	shalt  }
0x87: {  	_ =	shalt  }
.Lfunc_end0:
.L_simem_size_0:
called_computation.1_lowered:
.L_overlay_start_0:
0x88: {  	s2 =	sld [smem:$0x3FD9]  }
0x89: {  	s3 =	sld [smem:$0x3FFE];
	_ =	sdelay $0x1  }
0x8a: {  	s1 =	srdreg.scid  }
0x8b: {  	s0 =	sand.u32 $0x1, s1  }
0x8c: {  	s14 =	sshll.u32 s0, $0xA;
	s2 =	sadd.s32 s3, s2  }
0x8d: {  	s2 =	sadd.s32 s2, s14  }
0x8e: {  	[smem:$0x3FC4] =	sst s2  }
0x8f: {  	_ = 	snop  }
0x90: {  	s2 =	sld [smem:$0x3FD0];
	_ =	sdelay $0x2  }
0x91: {  	s15 =	simm.s32 $0xA;
	s4 =	simm.s32 $0x10  }
0x92: {  	[smem:s4], [sflag:s15] =	dma.local [hbm:s2], $0x1  }
0x93: {  	_ =	swait.eq [sflag:s15], $0x1  }
0x94: {  	[sflag:s15] =	ssyncset.done $0x0  }
0x95: {  	s16 =	sld [smem:$0x10];
	[sflag:s15] =	ssyncadd.s32 $0xFFFFFFFF  }
0x96: {  	s17 =	sld [smem:$0x11];
	(tm) =	ssettm $0x1  }
0x97: {  	s18 =	sld [smem:$0x3FFB];
	_ =	sdelay $0x3  }
0x98: {  	_ =	strace s18  }
0x99: {  	s4 =	sld [smem:$0x3FFC];
	_ =	sdelay $0x3  }
0x9a: {  	_ =	strace s4  }
0x9b: {  	s4 =	sld [smem:$0x3FFD];
	_ =	sdelay $0x3  }
0x9c: {  	_ =	strace s4  }
0x9d: {  	_ =	strace $0x8FFFFFFF  }
0x9e: {  	s19 =	sld [smem:$0x3FDB];
	_ =	sdelay $0x1  }
0x9f: {  	s5 =	simm.s32 $_scs_section_size  }
0xa0: {  	s6 =	simm.s32 $_size__tile_overlayer_lowered;
	s7 =	simm.s32 $_tile_overlayer_lowered  }
0xa1: {  	s22 =	simm.s32 $0x1BFF;
	s21 =	sshll.u32 s7, $0x1;
	s4 =	sadd.s32 s5, s19  }
0xa2: {  	s8 =	simm.s32 $0x0;
	s20 =	sshll.u32 s6, $0x1;
	s6 =	sadd.s32 s21, s4  }
0xa3: {  	[timem:s8], [sflag:s22] =	dma.local [hbm:s6], s20  }
0xa4: {  	_ =	swait.ge [sflag:s22], s20  }
0xa5: {  	s5 =	ssub.s32 $0x0, s20;
	[sflag:s22] =	ssyncset.done $0x0  }
0xa6: {  	[sflag:s22] =	ssyncadd.s32 s5;
	_ =	sdelay $0x1  }
0xa7: {  	s23 =	simm.s32 $0x1B8B  }
0xa8: {  	_ =	swait.ge [sflag:s23], $0x1  }
0xa9: {  	[sflag:s23] =	ssyncset.done $0x0  }
0xaa: {  	s25 =	simm.s32 $0x1B8E;
	s24 =	sld [smem:$0x3FFE];
	[sflag:s23] =	ssyncadd.s32 $0xFFFFFFFF  }
0xab: {  	s26 =	simm.s32 $execute0_lowered;
	[smem:$0x3FD2] =	sst s25  }
0xac: {  	s6 =	sshll.u32 s26, $0x1;
	_ =	strace $0x80000046;
	[dreg:$0x1] =	wrdreg $0xFFFFFFFF  }
0xad: {  	s28 =	simm.s32 $_size_execute0_lowered;
	s4 =	sadd.s32 s4, s6;
	[dreg:$0x0] =	wrdreg $0x0  }
0xae: {  	s6 =	sshll.u32 s28, $0x1;
	[dreg:$0x2] =	wrdreg s4  }
0xaf: {  	[dreg:$0x3] =	wrdreg s6  }
0xb0: {  	[dreg:$0x4] =	wrdreg $0xC0  }
0xb1: {  	_ =	task [dreg:s8], $0x5FFFF  }
0xb2: {  	[dreg:$0x1] =	wrdreg $0xFFFFFFFF  }
0xb3: {  	[dreg:$0x0] =	wrdreg $0x60  }
0xb4: {  	[dreg:$0x2] =	wrdreg s24  }
0xb5: {  	[dreg:$0x3] =	wrdreg s17  }
0xb6: {  	[dreg:$0x4] =	wrdreg s16  }
0xb7: {  	[dreg:$0x5] =	wrdreg $0x9  }
0xb8: {  	_ =	task.clear_ibuf [dreg:s8], $0x6FFFF;
	_ =	strace $0x90000046  }
0xb9: {  	s29 =	simm.s32 $0x9;
	_ =	strace $0x80000048  }
0xba: {  	_ =	swait.ge [sflag:s29], $0x1  }
0xbb: {  	[sflag:s29] =	ssyncadd.s32 $0xFFFFFFFF  }
0xbc: {  	_ =	strace $0x90000048  }
0xbd: {  	_ =	sfence  }
0xbe: {  	s30 =	sld [smem:$0x0];
	_ =	sdelay $0x2  }
0xbf: {  	s31 =	sshll.u32 s1, $0xD;
	s1 =	sshrl.u32 s1, $0x2  }
0xc0: {  	s3 =	sand.u32 $0x4000, s31;
	s1 =	sadd.s32 s1, s30  }
0xc1: {  	s0 =	sor.u32 s3, s0;
	s1 =	sshll.u32 s1, $0x11  }
0xc2: {  	s0 =	sor.u32 s1, s0  }
0xc3: {  	s0 =	sadd.s32 $0x8F2B, s0  }
0xc4: {  	[sflag:s0] =	ssyncadd.remote.s32 $0x1  }
0xc5: {  	_ =	sfence.sel $0xFFFF  }
0xc6: {  	[dreg:$0x0] =	wrdreg $0xFFFFFFFF;
	(pc) =	sbr.abs _section_cstart, $3  }
0xc7: {  	[dreg:$0x1] =	wrdreg $0xFFFFFFFF  }
0xc8: {  	_ =	task.clear_ibuf [dreg:s8], $0x2FFFF;
	_ =	strace $0x9FFFFFFF  }
0xc9: {  	(tm) =	ssettm $0x7FFFFFFF  }
tec
execute0_lowered:
.L_overlay_start_1:
0x0: {  	(tag) =	ssettag $0x1  }
0x1: {  	s0 =	rddreg [dreg:$0x0];
	s1 =	simm.s32 $0x0  }
0x2: {  	s28 =	simm.s32 $0x0;
	s21 =	srdreg.scid;
	s4 =	stileid.u32  }
0x3: {  	s30 =	simm.s32 $0x2;
	s16 =	simm.s32 $0x80;
	s18 =	simm.s32 $0x17C0  }
0x4: {  	s5 =	simm.s32 $0x33C0;
	s11 =	simm.s32 $0x37C0;
	s13 =	simm.s32 $0x3BC0  }
0x5: {  	s14 =	simm.s32 $0xCC0;
	s15 =	simm.s32 $0x3FC0;
	s6 =	simm.s32 $0x43C0  }
0x6: {  	s7 =	simm.s32 $0xDC0;
	s9 =	simm.s32 $0x47C0;
	s10 =	simm.s32 $0x4BC0  }
0x7: {  	s12 =	simm.s32 $0xEC0;
	s17 =	simm.s32 $0x4FC0;
	s19 =	simm.s32 $0xF40  }
0x8: {  	s20 =	simm.s32 $0x53C0;
	s29 =	simm.s32 $0x0;
	[smem:$0x7FF] =	sst s1  }
0x9: {  	s2 =	sadd.s32 $0x11600, s0;
	s1 =	sand.u32 $0x1, s21;
	s22 =	sadd.s32 $0x9600, s0  }
0xa: {  	s23 =	sadd.s32 $0x1600, s0;
	s8 =	sadd.s32 $0x8019600, s0;
	s25 =	sshll.u32 s4, $0xE  }
0xb: {  	s0 =	sadd.s32 $0x19600, s0;
	_ =	strace $0x80000047;
	[dreg:$0x4] =	wrdreg s2  }
0xc: {  	v2 =	vlaneseq.u32;
	s4 =	simm.s32 $0xD40;
	s21 =	simm.s32 $0x1;
	[dreg:$0x5] =	wrdreg s22  }
0xd: {  	v0 =	vimm.s32 $0x0;
	v1 =	vshrl.u32 v2, $0x1;
	[dreg:$0x6] =	wrdreg s23;
	s24 =	ssub.s32 $0x2, s1;
	s1 =	sshll.u32 s1, $0xD  }
0xe: {  	v2 =	vand.u32 $0x1, v2;
	[dreg:$0x7] =	wrdreg s0;
	v3 =	vor.u32 $0x100, v1;
	v4 =	vor.u32 $0x1F8, v1;
	s22 =	simm.s32 $0x3C0;
	s23 =	simm.s32 $0x4C0  }
0xf: {  	v5 =	vor.u32 $0x200, v1;
	v6 =	vor.u32 $0x2F8, v1;
	v7 =	vor.u32 $0x300, v1;
	s3 =	sshrl.u32 s24, $0x1;
	s26 =	sor.u32 s1, s25;
	s1 =	simm.s32 $0xBC0  }
0x10: {  	v8 =	vor.u32 $0x3F8, v1;
	v9 =	vor.u32 $0x400, v1;
	v10 =	vor.u32 $0x4F8, v1;
	s25 =	simm.s32 $0xFC0;
	s2 =	ssub.s32 s24, s3;
	[dreg:$0x8] =	wrdreg s26  }
0x11: {  	v11 =	vor.u32 $0x500, v1;
	v12 =	vor.u32 $0x5F8, v1;
	v13 =	vor.u32 $0x600, v1;
	s3 =	simm.s32 $0xE40;
	s24 =	simm.s32 $0x5C0;
	s31 =	smax.u32 s2, $0x1  }
0x12: {  	v14 =	vor.u32 $0x6F8, v1;
	v15 =	vor.u32 $0x700, v1;
	v16 =	vor.u32 $0x7F8, v1;
	s26 =	simm.s32 $0x57C0;
	s2 =	simm.s32 $0xC40;
	[dreg:$0x9] =	wrdreg s31  }
.LBB2_1:
0x13: {  	[dreg:$0xa] =	wrdreg s29  }
0x14: {  	s0 =	rddreg [dreg:$0x1]  }
0x15: {  	[tilespmem:s28], [sflag:$0x2] =	stream.linear.gather [hbm4b:s0+s28], $0xC0, $0x38;
	[tilespmem:$0x77C0] =	vst v63  }
0x16: {  	_ =	swait.ge [sflag:s30], $0xC0  }
0x17: {  	[sflag:s30] =	ssyncset.done $0x0  }
0x18: {  	s0 =	simm.s32 $0x0;
	[sflag:s30] =	ssyncadd.s32 $0xFFFFFF40  }
.LBB2_2:
0x19: {  	[dreg:$0xb] =	wrdreg s0  }
0x1a: {  	s28 =	sshll.u32 s0, $0x8;
	s0 =	rddreg [dreg:$0x8]  }
0x1b: {  	s0 =	sadd.s32 s0, s28  }
0x1c: {  	[dreg:$0xd] =	wrdreg s0  }
0x1d: {  	s31 =	sshrl.u32 s0, $0x3;
	s0 =	rddreg [dreg:$0x4]  }
0x1e: {  	s28 =	simm.s32 $0x0;
	s29 =	sadd.s32 s0, s31;
	s0 =	simm.s32 $0xC0  }
0x1f: {  	[tilespmem:s0], [sflag:$0x2] =	stream.linear.gather [hbm4b:s29+s28], $0x100, $0x38;
	[tilespmem:$0x77C0] =	vst v63  }
0x20: {  	_ =	swait.ge [sflag:s30], $0x100  }
0x21: {  	[sflag:s30] =	ssyncset.done $0x0;
	s0 =	rddreg [dreg:$0x5]  }
0x22: {  	[sflag:s30] =	ssyncadd.s32 $0xFFFFFF00;
	s29 =	sadd.s32 s0, s31;
	s0 =	simm.s32 $0x1C0  }
0x23: {  	[tilespmem:s0], [sflag:$0x2] =	stream.linear.gather [hbm4b:s29+s28], $0x100, $0x38;
	[tilespmem:$0x77C0] =	vst v63  }
0x24: {  	_ =	swait.ge [sflag:s30], $0x100;
	[dreg:$0xc] =	wrdreg s31  }
0x25: {  	[sflag:s30] =	ssyncset.done $0x0;
	s0 =	rddreg [dreg:$0x6]  }
0x26: {  	[sflag:s30] =	ssyncadd.s32 $0xFFFFFF00;
	s29 =	sadd.s32 s0, s31;
	s0 =	simm.s32 $0x2C0  }
0x27: {  	[tilespmem:s0], [sflag:$0x2] =	stream.linear.gather [hbm4b:s29+s28], $0x100, $0x38;
	[tilespmem:$0x77C0] =	vst v63  }
0x28: {  	_ =	swait.ge [sflag:s30], $0x100  }
0x29: {  	[sflag:s30] =	ssyncset.done $0x0  }
0x2a: {  	[sflag:s30] =	ssyncadd.s32 $0xFFFFFF00  }
0x2b: {  	v17 =	vld [tilespmem:$0x30]  }
0x2c: {  	v18 =	vld [tilespmem:$0x40]  }
0x2d: {  	v21 =	vld [tilespmem:$0x60]  }
0x2e: {  	v22 =	vld [tilespmem:$0x70]  }
0x2f: {  	s30 =	simm.s32 $0x0;
	v19 =	vld [tilespmem:$0x80]  }
0x30: {  	v24 =	vld [tilespmem:s30+$0xC0]  }
0x31: {  	v25 =	vld [tilespmem:s30+$0x1C0]  }
0x32: {  	v26 =	vld [tilespmem:s30+$0x2C0]  }
0x33: {  	v20 =	vld [tilespmem:$0x50];
	_ =	sdelay $0x2  }
0x34: {  	s29 =	simm.s32 $0x10;
	v23 =	vmin.f32 v24, v21;
	v27 =	vmin.f32 v25, v22  }
0x35: {  	v29 =	vmin.f32 v26, v19;
	v28 =	vmax.f32 v23, v17;
	v27 =	vmax.f32 v27, v18;
	v23 =	vld [tilespmem:s29+$0xC0]  }
0x36: {  	vm0 =	veq.f32 v24, v28;
	vm1 =	veq.f32 v25, v27;
	v25 =	vmax.f32 v29, v20;
	v24 =	vld [tilespmem:s29+$0x1C0]  }
0x37: {  	vm2 =	veq.f32 v26, v25;
	v25 =	vld [tilespmem:s29+$0x2C0]  }
0x38: {  	vm0 =	vmand vm0, vm1  }
0x39: {  	s31 =	simm.s32 $0x80;
	vm0 =	vmand vm0, vm2  }
.LBB2_3:
0x3a: {  	s0 =	sshra.s32 s31, $0x2;
	v30 =	vsel vm0, $0x1, v0;
	v27 =	vmov v23;
	p0 =	sne.s32 s31, $0x3C0  }
.Ltmp0:
0x3b: {  	s31 =	sadd.s32 $0x40, s31;
	v23 =	vld [tilespmem:s0+$0xC0];
	v28 =	vmin.f32 v27, v21;
	v29 =	vmin.f32 v24, v22;
	[tilespmem:s30+$0x6C0] =	vst v30;
	v26 =	vmov v24;
	(pc) =	sbr.rel @p0 .LBB2_3-.Ltmp0, $4  }
0x3c: {  	s30 =	smov.u32 s29;
	s29 =	smov.u32 s0;
	v24 =	vld [tilespmem:s0+$0x1C0];
	v28 =	vmax.f32 v28, v17;
	v29 =	vmax.f32 v29, v18;
	v30 =	vmin.f32 v25, v19;
	v31 =	vmovc v25  }
0x3d: {  	v25 =	vld [tilespmem:s29+$0x2C0];
	vm0 =	veq.f32 v27, v28;
	vm1 =	veq.f32 v26, v29;
	v26 =	vmax.f32 v30, v20  }
0x3e: {  	vm2 =	veq.f32 v31, v26;
	vm0 =	vmand vm0, vm1  }
0x3f: {  	vm0 =	vmand vm0, vm2  }
0x40: {  	_ = 	snop  }
0x41: {  	v21 =	vmin.f32 v23, v21;
	v22 =	vmin.f32 v24, v22  }
0x42: {  	v17 =	vmax.f32 v21, v17;
	v18 =	vmax.f32 v22, v18;
	v19 =	vmin.f32 v25, v19  }
0x43: {  	vm1 =	veq.f32 v23, v17;
	vm2 =	veq.f32 v24, v18;
	v17 =	vmax.f32 v19, v20  }
0x44: {  	vm3 =	veq.f32 v25, v17;
	vm1 =	vmand vm1, vm2  }
0x45: {  	v17 =	vsel vm0, $0x1, v0;
	vm15 =	vmand vm1, vm3  }
0x46: {  	[tilespmem:s30+$0x6C0] =	vst v17;
	v17 =	vsel vm15, $0x1, v0  }
0x47: {  	[tilespmem:s29+$0x6C0] =	vst v17  }
.LBB2_5:
0x48: {  	v17 =	vmov s28  }
0x49: {  	v18 =	vand.u32 $0xF, v17  }
0x4a: {  	v20 =	vor.u32 $0x10, v18  }
0x4b: {  	v21 =	vor.u32 $0x20, v18;
	_ =	sdelay $0x1  }
0x4c: {  	s0 =	simm.s32 $0x0;
	v22 =	vld [tilespmem:$0x30]  }
0x4d: {  	v19 =	vld.idx.msk [tilespmem:v17+s0+$0x0], $0xffff  }
0x4e: {  	v18 =	vld.idx.msk [tilespmem:v20+s0+$0x0], $0xffff  }
0x4f: {  	v20 =	vld.idx.msk [tilespmem:v21+s0+$0x0], $0xffff  }
0x50: {  	v23 =	vld [tilespmem:$0x50]  }
0x51: {  	v24 =	vld [tilespmem:$0x60]  }
0x52: {  	v27 =	vld [tilespmem:$0x80];
	s29 =	simm.s32 $0x0;
	(erf) = vrcp.f32 v19  }
0x53: {  	v30 =	vld [tilespmem:s29+$0x2C0];
	(erf) = vrcp.f32 v18  }
0x54: {  	v31 =	vld [tilespmem:s29+$0xC0];
	(erf) = vrcp.f32 v20  }
0x55: {  	v32 =	vld [tilespmem:s29+$0x1C0]  }
0x56: {  	v21 =	vld [tilespmem:$0x40]  }
0x57: {  	v28 =	vld [tilespmem:$0x70];
	_ =	sdelay $0x1  }
0x58: {  	v29 =	vmax.f32 v31, v22  }
0x59: {  	v17 =	vmax.f32 v30, v23;
	v33 =	vmin.f32 v29, v24  }
0x5a: {  	v17 =	vmin.f32 v17, v27;
	v33 =	vsub.f32 v33, v22;
	v34 =	vmax.f32 v32, v21;
	v25 =	vpop (erf)  }
0x5b: {  	v17 =	vsub.f32 v17, v23;
	v34 =	vmin.f32 v34, v28;
	v26 =	vpop (erf)  }
0x5c: {  	v34 =	vsub.f32 v34, v21;
	v33 =	vmul.f32 v33, v25;
	v29 =	vpop (erf)  }
0x5d: {  	v17 =	vmul.f32 v17, v29  }
0x5e: {  	v34 =	vmul.f32 v34, v26;
	v33 =	vtrunc.f32 v33  }
0x5f: {  	v33 =	vcvt.f32.s32 v33;
	v17 =	vtrunc.f32 v17  }
0x60: {  	v35 =	vcvt.f32.s32 v17  }
0x61: {  	v51 =	vcvt.s32.f32 v33;
	v17 =	vtrunc.f32 v34  }
0x62: {  	v34 =	vcvt.f32.s32 v17;
	v36 =	vcvt.s32.f32 v35  }
0x63: {  	v40 =	vadd.s32 $0x1, v33;
	v52 =	vmul.f32 v51, v19  }
0x64: {  	s0 =	sshll.u32 s28, $0x11;
	v37 =	vmul.u32 $0x30025795, v35;
	v38 =	vcvt.s32.f32 v34;
	v36 =	vmul.f32 v36, v20  }
0x65: {  	v17 =	vmov s0;
	v39 =	vmul.u32 $0x9E3779B1, v34;
	v55 =	vadd.f32 v52, v22  }
0x66: {  	v41 =	vadd.s32 $0x30025795, v37;
	v53 =	vmul.f32 v38, v18;
	v49 =	vadd.f32 v36, v23  }
0x67: {  	v54 =	vadd.s32 $0x9E3779B1, v39;
	v34 =	vsub.f32 v31, v55;
	v31 =	vadd.f32 v55, v19  }
0x68: {  	v42 =	vxor.u32 v33, v54;
	v35 =	vadd.f32 v53, v21;
	v56 =	vadd.f32 v49, v20  }
0x69: {  	v43 =	vxor.u32 v40, v54;
	v33 =	vxor.u32 v33, v39;
	v40 =	vxor.u32 v40, v39  }
0x6a: {  	v50 =	vxor.u32 v37, v42;
	v57 =	vadd.f32 v35, v18;
	v44 =	vsub.f32 v56, v49  }
0x6b: {  	v31 =	vsub.f32 v31, v55;
	v51 =	vxor.u32 v41, v42;
	v39 =	vxor.u32 v37, v43  }
0x6c: {  	v38 =	vxor.u32 v37, v33;
	v58 =	vsub.f32 v57, v35;
	(erf) = vrcp.f32 v44  }
0x6d: {  	v33 =	vxor.u32 v33, v41;
	v59 =	vshrl.u32 v50, $0x2;
	(erf) = vrcp.f32 v31  }
0x6e: {  	v60 =	vshrl.u32 v51, $0x2;
	v61 =	vshrl.u32 v38, $0x2;
	(erf) = vrcp.f32 v58  }
0x6f: {  	v62 =	vshrl.u32 v39, $0x2;
	v52 =	vshrl.u32 v33, $0x2;
	v36 =	vsub.f32 v32, v35  }
0x70: {  	v32 =	vxor.u32 v37, v40;
	v46 =	vand.u32 $0x1FFFF, v59;
	v45 =	vand.u32 $0x1FFFF, v60  }
0x71: {  	v42 =	vand.u32 $0x1FFFF, v61;
	v37 =	vshll.u32 v51, $0x1;
	v48 =	vshrl.u32 v32, $0x2  }
0x72: {  	v49 =	vsub.f32 v30, v49;
	v35 =	vxor.u32 v41, v43;
	v43 =	vand.u32 $0x1FFFF, v62  }
0x73: {  	v63 =	vshrl.u32 v35, $0x2;
	v31 =	vxor.u32 v40, v41;
	v40 =	vand.u32 $0x1FFFF, v52  }
0x74: {  	s30 =	simm.s32 $0x10;
	s31 =	simm.s32 $0x80;
	v44 =	vand.u32 $0x1FFFF, v63;
	v41 =	vshll.u32 v50, $0x1;
	v47 =	vshrl.u32 v31, $0x2  }
.LBB2_6:
0x75: {  	p0 =	sne.s32 s31, $0x3C0;
	v30 =	vld [tilespmem:s30+$0x2C0];
	v48 =	vand.u32 $0x1FFFF, v48;
	v47 =	vand.u32 $0x1FFFF, v47;
	v39 =	vshll.u32 v39, $0x1;
	v50 =	vpop (erf)  }
0x76: {  	v38 =	vshll.u32 v38, $0x1;
	v35 =	vshll.u32 v35, $0x1;
	v51 =	vld [tilespmem:s30+$0xC0];
	v49 =	vmul.f32 v50, v49;
	v50 =	vpop (erf)  }
0x77: {  	v33 =	vshll.u32 v33, $0x1;
	v32 =	vshll.u32 v32, $0x1;
	v52 =	vld [tilespmem:s30+$0x1C0];
	v34 =	vmul.f32 v50, v34;
	v50 =	vpop (erf)  }
0x78: {  	v46 =	vor.u32 v17, v46;
	v31 =	vshll.u32 v31, $0x1;
	v36 =	vmul.f32 v50, v36;
	[tilespmem:s29+$0x5C0] =	vst v49  }
0x79: {  	v43 =	vor.u32 v17, v43;
	v44 =	vor.u32 v17, v44;
	[tilespmem:s29+$0x3C0] =	vst v34;
	v34 =	vor.u32 v17, v45  }
0x7a: {  	v40 =	vor.u32 v17, v40;
	v45 =	vmax.f32 v30, v23;
	[tilespmem:s29+$0x4C0] =	vst v36;
	v36 =	vor.u32 v17, v42  }
0x7b: {  	v41 =	vand.u32 $0x6, v41;
	v42 =	vmax.f32 v51, v22;
	v45 =	vmin.f32 v45, v27;
	[tilespmem:s29+$0x9C0] =	vst v46  }
0x7c: {  	v42 =	vmin.f32 v42, v24;
	v46 =	vmax.f32 v52, v21;
	v45 =	vsub.f32 v45, v23;
	[tilespmem:s29+$0xAC0] =	vst v34  }
0x7d: {  	v37 =	vand.u32 $0x6, v37;
	v34 =	vmin.f32 v46, v28;
	v42 =	vsub.f32 v42, v22;
	[tilespmem:s29+$0xDC0] =	vst v43  }
0x7e: {  	v34 =	vsub.f32 v34, v21;
	v43 =	vmul.f32 v45, v29;
	v45 =	vor.u32 v17, v48;
	[tilespmem:s29+$0xEC0] =	vst v44  }
0x7f: {  	v39 =	vand.u32 $0x6, v39;
	v42 =	vmul.f32 v42, v25;
	[tilespmem:s29+$0x7C0] =	vst v36;
	v36 =	vor.u32 v17, v47  }
0x80: {  	v35 =	vand.u32 $0x6, v35;
	v34 =	vmul.f32 v34, v26;
	v43 =	vtrunc.f32 v43;
	[tilespmem:s29+$0x8C0] =	vst v40  }
0x81: {  	v38 =	vand.u32 $0x6, v38;
	v40 =	vtrunc.f32 v42;
	v42 =	vcvt.f32.s32 v43;
	[tilespmem:s29+$0x11C0] =	vst v41  }
0x82: {  	v33 =	vand.u32 $0x6, v33;
	v40 =	vcvt.f32.s32 v40;
	v34 =	vtrunc.f32 v34;
	[tilespmem:s29+$0x12C0] =	vst v37  }
0x83: {  	v34 =	vcvt.f32.s32 v34;
	v37 =	vcvt.s32.f32 v42;
	v41 =	vmul.u32 $0x30025795, v42;
	[tilespmem:s29+$0xBC0] =	vst v45  }
0x84: {  	v32 =	vand.u32 $0x6, v32;
	v42 =	vcvt.s32.f32 v40;
	v43 =	vadd.s32 $0x1, v40;
	[tilespmem:s29+$0xCC0] =	vst v36  }
0x85: {  	v36 =	vcvt.s32.f32 v34;
	v37 =	vmul.f32 v37, v20;
	v44 =	vmul.u32 $0x9E3779B1, v34;
	[tilespmem:s29+$0x15C0] =	vst v39  }
0x86: {  	v31 =	vand.u32 $0x6, v31;
	v34 =	vmul.f32 v42, v19;
	v42 =	vadd.s32 $0x30025795, v41;
	[tilespmem:s29+$0x16C0] =	vst v35  }
0x87: {  	v35 =	vmul.f32 v36, v18;
	v37 =	vadd.f32 v37, v23;
	v36 =	vadd.s32 $0x9E3779B1, v44;
	[tilespmem:s29+$0xFC0] =	vst v38  }
0x88: {  	v38 =	vadd.f32 v34, v22;
	v39 =	vxor.u32 v40, v36;
	v45 =	vxor.u32 v43, v36;
	[tilespmem:s29+$0x10C0] =	vst v33  }
0x89: {  	v40 =	vxor.u32 v40, v44;
	v33 =	vadd.f32 v35, v21;
	v35 =	vadd.f32 v37, v20;
	[tilespmem:s29+$0x13C0] =	vst v32  }
0x8a: {  	v43 =	vxor.u32 v43, v44;
	v34 =	vsub.f32 v51, v38;
	v32 =	vadd.f32 v38, v19;
	[tilespmem:s29+$0x14C0] =	vst v31;
	s29 =	smov.u32 s30  }
0x8b: {  	v50 =	vxor.u32 v41, v39;
	v31 =	vadd.f32 v33, v18;
	v35 =	vsub.f32 v35, v37  }
0x8c: {  	v51 =	vxor.u32 v42, v39;
	v36 =	vsub.f32 v52, v33;
	v32 =	vsub.f32 v32, v38  }
0x8d: {  	v39 =	vxor.u32 v41, v45;
	v31 =	vsub.f32 v31, v33;
	(erf) = vrcp.f32 v35  }
0x8e: {  	v38 =	vxor.u32 v41, v40;
	v35 =	vxor.u32 v42, v45;
	(erf) = vrcp.f32 v32  }
0x8f: {  	v33 =	vxor.u32 v40, v42;
	v32 =	vxor.u32 v41, v43;
	(erf) = vrcp.f32 v31  }
0x90: {  	v40 =	vshrl.u32 v50, $0x2;
	v41 =	vshrl.u32 v51, $0x2;
	v31 =	vxor.u32 v43, v42  }
.Ltmp1:
0x91: {  	v44 =	vshrl.u32 v35, $0x2;
	v42 =	vshrl.u32 v38, $0x2;
	v43 =	vshrl.u32 v39, $0x2;
	(pc) =	sbr.rel @p0 .LBB2_6-.Ltmp1, $4  }
0x92: {  	v49 =	vshrl.u32 v33, $0x2;
	v48 =	vshrl.u32 v32, $0x2;
	v47 =	vshrl.u32 v31, $0x2  }
0x93: {  	v46 =	vand.u32 $0x1FFFF, v40;
	v45 =	vand.u32 $0x1FFFF, v41;
	v43 =	vand.u32 $0x1FFFF, v43  }
0x94: {  	v40 =	vand.u32 $0x1FFFF, v49;
	v44 =	vand.u32 $0x1FFFF, v44;
	v42 =	vand.u32 $0x1FFFF, v42  }
0x95: {  	s30 =	sshra.s32 s31, $0x2;
	s31 =	sadd.s32 $0x40, s31;
	v49 =	vsub.f32 v30, v37;
	v41 =	vshll.u32 v50, $0x1;
	v37 =	vshll.u32 v51, $0x1  }
0x96: {  	v30 =	vld [tilespmem:s30+$0x2C0]  }
0x97: {  	v50 =	vld [tilespmem:s30+$0xC0]  }
0x98: {  	v51 =	vld [tilespmem:s30+$0x1C0];
	_ =	sdelay $0x2  }
0x99: {  	v52 =	vmax.f32 v30, v23  }
0x9a: {  	v58 =	vmax.f32 v50, v22;
	v27 =	vmin.f32 v52, v27  }
0x9b: {  	v59 =	vmax.f32 v51, v21;
	v24 =	vmin.f32 v58, v24;
	v27 =	vsub.f32 v27, v23  }
0x9c: {  	v28 =	vmin.f32 v59, v28;
	v24 =	vsub.f32 v24, v22  }
0x9d: {  	v60 =	vpop (erf);
	v28 =	vsub.f32 v28, v21;
	v27 =	vmul.f32 v27, v29  }
0x9e: {  	v29 =	vmul.f32 v60, v49;
	v24 =	vmul.f32 v24, v25  }
0x9f: {  	v25 =	vmul.f32 v28, v26;
	v26 =	vtrunc.f32 v27  }
0xa0: {  	v24 =	vtrunc.f32 v24;
	v26 =	vcvt.f32.s32 v26  }
0xa1: {  	v25 =	vtrunc.f32 v25;
	v24 =	vcvt.f32.s32 v24  }
0xa2: {  	v25 =	vcvt.f32.s32 v25;
	v27 =	vpop (erf);
	v28 =	vcvt.s32.f32 v26  }
0xa3: {  	v27 =	vmul.f32 v27, v34;
	v61 =	vcvt.s32.f32 v24  }
0xa4: {  	v63 =	vcvt.s32.f32 v25;
	v28 =	vmul.f32 v28, v20  }
0xa5: {  	[tilespmem:s29+$0x5C0] =	vst v29;
	v29 =	vmul.f32 v61, v19  }
0xa6: {  	v56 =	vor.u32 v17, v46;
	[tilespmem:s29+$0x3C0] =	vst v27;
	v27 =	vmul.f32 v63, v18;
	v23 =	vadd.f32 v28, v23  }
0xa7: {  	v55 =	vand.u32 $0x1FFFF, v47;
	v57 =	vor.u32 v17, v43;
	[tilespmem:s29+$0x9C0] =	vst v56;
	v22 =	vadd.f32 v29, v22  }
0xa8: {  	[tilespmem:s29+$0xDC0] =	vst v57;
	v58 =	vor.u32 v17, v42;
	v21 =	vadd.f32 v27, v21;
	v20 =	vadd.f32 v23, v20  }
0xa9: {  	v59 =	vand.u32 $0x6, v41;
	[tilespmem:s29+$0x7C0] =	vst v58;
	v60 =	vor.u32 v17, v55;
	v62 =	vpop (erf);
	v19 =	vadd.f32 v22, v19  }
0xaa: {  	[tilespmem:s29+$0x11C0] =	vst v59;
	v36 =	vmul.f32 v62, v36;
	v18 =	vadd.f32 v21, v18;
	v20 =	vsub.f32 v20, v23  }
0xab: {  	v48 =	vand.u32 $0x1FFFF, v48;
	v35 =	vshll.u32 v35, $0x1;
	[tilespmem:s29+$0xCC0] =	vst v60;
	v19 =	vsub.f32 v19, v22  }
0xac: {  	[tilespmem:s29+$0x4C0] =	vst v36;
	v29 =	vor.u32 v17, v45;
	v18 =	vsub.f32 v18, v21;
	(erf) = vrcp.f32 v20  }
0xad: {  	v28 =	vshll.u32 v39, $0x1;
	[tilespmem:s29+$0xAC0] =	vst v29;
	v29 =	vor.u32 v17, v44;
	(erf) = vrcp.f32 v19  }
0xae: {  	v26 =	vmul.u32 $0x30025795, v26;
	v28 =	vand.u32 $0x6, v28;
	[tilespmem:s29+$0xEC0] =	vst v29;
	(erf) = vrcp.f32 v18  }
0xaf: {  	v25 =	vmul.u32 $0x9E3779B1, v25;
	v27 =	vshll.u32 v38, $0x1;
	v29 =	vor.u32 v17, v40;
	[tilespmem:s29+$0x15C0] =	vst v28  }
0xb0: {  	v61 =	vadd.s32 $0x30025795, v26;
	v27 =	vand.u32 $0x6, v27;
	[tilespmem:s29+$0x8C0] =	vst v29;
	v29 =	vand.u32 $0x6, v37  }
0xb1: {  	v28 =	vadd.s32 $0x9E3779B1, v25;
	[tilespmem:s29+$0x12C0] =	vst v29;
	v29 =	vand.u32 $0x6, v35;
	v20 =	vshll.u32 v33, $0x1  }
0xb2: {  	v23 =	vsub.f32 v30, v23;
	[tilespmem:s29+$0x16C0] =	vst v29;
	v29 =	vxor.u32 v24, v28;
	v20 =	vand.u32 $0x6, v20  }
0xb3: {  	v19 =	vshll.u32 v32, $0x1;
	v18 =	vshll.u32 v31, $0x1;
	v31 =	vor.u32 v17, v48;
	[tilespmem:s29+$0x10C0] =	vst v20  }
0xb4: {  	v19 =	vand.u32 $0x6, v19;
	v20 =	vsub.f32 v50, v22;
	[tilespmem:s29+$0xBC0] =	vst v31;
	v31 =	vadd.s32 $0x1, v24  }
0xb5: {  	[tilespmem:s29+$0xFC0] =	vst v27;
	v18 =	vand.u32 $0x6, v18;
	v24 =	vxor.u32 v24, v25;
	v27 =	vxor.u32 v31, v28;
	v28 =	vpop (erf)  }
0xb6: {  	[tilespmem:s29+$0x13C0] =	vst v19;
	v19 =	vsub.f32 v51, v21;
	v21 =	vxor.u32 v61, v29;
	v23 =	vmul.f32 v28, v23;
	v28 =	vpop (erf)  }
0xb7: {  	v22 =	vxor.u32 v31, v25;
	v25 =	vxor.u32 v26, v29;
	[tilespmem:s29+$0x14C0] =	vst v18;
	v20 =	vmul.f32 v28, v20;
	v28 =	vpop (erf)  }
0xb8: {  	v29 =	vxor.u32 v26, v24;
	v30 =	vshrl.u32 v25, $0x2;
	v19 =	vmul.f32 v28, v19;
	[tilespmem:s30+$0x5C0] =	vst v23  }
0xb9: {  	v18 =	vxor.u32 v26, v27;
	v23 =	vxor.u32 v24, v61;
	v28 =	vand.u32 $0x1FFFF, v30;
	[tilespmem:s30+$0x3C0] =	vst v20  }
0xba: {  	v24 =	vshrl.u32 v21, $0x2;
	v21 =	vshll.u32 v21, $0x1;
	v28 =	vor.u32 v17, v28;
	[tilespmem:s30+$0x4C0] =	vst v19  }
0xbb: {  	v27 =	vxor.u32 v61, v27;
	v24 =	vand.u32 $0x1FFFF, v24;
	v21 =	vand.u32 $0x6, v21;
	[tilespmem:s30+$0x9C0] =	vst v28  }
0xbc: {  	v20 =	vshrl.u32 v18, $0x2;
	v18 =	vshll.u32 v18, $0x1;
	v24 =	vor.u32 v17, v24;
	[tilespmem:s30+$0x12C0] =	vst v21  }
0xbd: {  	v19 =	vshrl.u32 v27, $0x2;
	v20 =	vand.u32 $0x1FFFF, v20;
	v18 =	vand.u32 $0x6, v18;
	[tilespmem:s30+$0xAC0] =	vst v24  }
0xbe: {  	v28 =	vshrl.u32 v29, $0x2;
	v21 =	vshll.u32 v27, $0x1;
	v20 =	vor.u32 v17, v20;
	[tilespmem:s30+$0x15C0] =	vst v18  }
0xbf: {  	v19 =	vand.u32 $0x1FFFF, v19;
	v24 =	vshrl.u32 v23, $0x2;
	v21 =	vand.u32 $0x6, v21;
	[tilespmem:s30+$0xDC0] =	vst v20  }
0xc0: {  	v28 =	vand.u32 $0x1FFFF, v28;
	v18 =	vshll.u32 v23, $0x1;
	v19 =	vor.u32 v17, v19;
	[tilespmem:s30+$0x16C0] =	vst v21  }
0xc1: {  	v20 =	vxor.u32 v26, v22;
	v24 =	vand.u32 $0x1FFFF, v24;
	v26 =	vor.u32 v17, v28;
	[tilespmem:s30+$0xEC0] =	vst v19  }
0xc2: {  	v19 =	vxor.u32 v22, v61;
	v22 =	vshll.u32 v25, $0x1;
	v24 =	vor.u32 v17, v24;
	[tilespmem:s30+$0x7C0] =	vst v26  }
0xc3: {  	v25 =	vshrl.u32 v20, $0x2;
	v22 =	vand.u32 $0x6, v22;
	[tilespmem:s30+$0x8C0] =	vst v24;
	v24 =	vshrl.u32 v19, $0x2  }
0xc4: {  	v18 =	vand.u32 $0x6, v18;
	v25 =	vand.u32 $0x1FFFF, v25;
	[tilespmem:s30+$0x11C0] =	vst v22;
	v22 =	vand.u32 $0x1FFFF, v24  }
0xc5: {  	[tilespmem:s30+$0x10C0] =	vst v18;
	v24 =	vor.u32 v17, v25;
	v17 =	vor.u32 v17, v22  }
0xc6: {  	[tilespmem:s30+$0xCC0] =	vst v17;
	v17 =	vshll.u32 v29, $0x1  }
0xc7: {  	v20 =	vshll.u32 v20, $0x1;
	[tilespmem:s30+$0xBC0] =	vst v24;
	v17 =	vand.u32 $0x6, v17  }
0xc8: {  	[tilespmem:s30+$0xFC0] =	vst v17;
	v17 =	vshll.u32 v19, $0x1;
	v19 =	vand.u32 $0x6, v20  }
0xc9: {  	v17 =	vand.u32 $0x6, v17;
	[tilespmem:s30+$0x13C0] =	vst v19  }
0xca: {  	s0 =	simm.s32 $0x7C0;
	[tilespmem:s30+$0x14C0] =	vst v17  }
0xcb: {  	[tilespmem:s18], [sflag:$0x1] =	stream.indirect.gather [hbm4b:s8+s16], $0x8, s0, s16, $0xb8;
	[tilespmem:$0x77C0] =	vst v63  }
0xcc: {  	s29 =	simm.s32 $0x1BC0;
	s30 =	simm.s32 $0x840  }
0xcd: {  	[tilespmem:s29], [sflag:$0x1] =	stream.indirect.gather [hbm4b:s8+s16], $0x8, s30, s16, $0xb8;
	[tilespmem:$0x77C0] =	vst v63  }
0xce: {  	s31 =	simm.s32 $0x8C0;
	s29 =	simm.s32 $0x1FC0  }
0xcf: {  	[tilespmem:s29], [sflag:$0x1] =	stream.indirect.gather [hbm4b:s8+s16], $0x8, s31, s16, $0xb8;
	[tilespmem:$0x77C0] =	vst v63  }
0xd0: {  	s30 =	simm.s32 $0x940;
	s29 =	simm.s32 $0x23C0  }
0xd1: {  	[tilespmem:s29], [sflag:$0x1] =	stream.indirect.gather [hbm4b:s8+s16], $0x8, s30, s16, $0xb8;
	[tilespmem:$0x77C0] =	vst v63  }
0xd2: {  	s31 =	simm.s32 $0x9C0;
	s29 =	simm.s32 $0x27C0  }
0xd3: {  	[tilespmem:s29], [sflag:$0x1] =	stream.indirect.gather [hbm4b:s8+s16], $0x8, s31, s16, $0xb8;
	[tilespmem:$0x77C0] =	vst v63  }
0xd4: {  	s30 =	simm.s32 $0xA40;
	s29 =	simm.s32 $0x2BC0  }
0xd5: {  	[tilespmem:s29], [sflag:$0x1] =	stream.indirect.gather [hbm4b:s8+s16], $0x8, s30, s16, $0xb8;
	[tilespmem:$0x77C0] =	vst v63  }
0xd6: {  	s31 =	simm.s32 $0xAC0;
	s29 =	simm.s32 $0x2FC0  }
0xd7: {  	[tilespmem:s29], [sflag:$0x1] =	stream.indirect.gather [hbm4b:s8+s16], $0x8, s31, s16, $0xb8;
	[tilespmem:$0x77C0] =	vst v63  }
0xd8: {  	s30 =	simm.s32 $0xB40  }
0xd9: {  	[tilespmem:s5], [sflag:$0x1] =	stream.indirect.gather [hbm4b:s8+s16], $0x8, s30, s16, $0xb8;
	[tilespmem:$0x77C0] =	vst v63  }
0xda: {  	_ = 	snop  }
0xdb: {  	[tilespmem:s11], [sflag:$0x1] =	stream.indirect.gather [hbm4b:s8+s16], $0x8, s1, s16, $0xb8;
	[tilespmem:$0x77C0] =	vst v63  }
0xdc: {  	_ = 	snop  }
0xdd: {  	[tilespmem:s13], [sflag:$0x1] =	stream.indirect.gather [hbm4b:s8+s16], $0x8, s2, s16, $0xb8;
	[tilespmem:$0x77C0] =	vst v63  }
0xde: {  	_ = 	snop  }
0xdf: {  	[tilespmem:s15], [sflag:$0x1] =	stream.indirect.gather [hbm4b:s8+s16], $0x8, s14, s16, $0xb8;
	[tilespmem:$0x77C0] =	vst v63  }
0xe0: {  	_ = 	snop  }
0xe1: {  	[tilespmem:s6], [sflag:$0x1] =	stream.indirect.gather [hbm4b:s8+s16], $0x8, s4, s16, $0xb8;
	[tilespmem:$0x77C0] =	vst v63  }
0xe2: {  	_ = 	snop  }
0xe3: {  	[tilespmem:s9], [sflag:$0x1] =	stream.indirect.gather [hbm4b:s8+s16], $0x8, s7, s16, $0xb8;
	[tilespmem:$0x77C0] =	vst v63  }
0xe4: {  	_ = 	snop  }
0xe5: {  	[tilespmem:s10], [sflag:$0x1] =	stream.indirect.gather [hbm4b:s8+s16], $0x8, s3, s16, $0xb8;
	[tilespmem:$0x77C0] =	vst v63  }
0xe6: {  	_ = 	snop  }
0xe7: {  	[tilespmem:s17], [sflag:$0x1] =	stream.indirect.gather [hbm4b:s8+s16], $0x8, s12, s16, $0xb8;
	[tilespmem:$0x77C0] =	vst v63  }
0xe8: {  	_ = 	snop  }
0xe9: {  	[tilespmem:s20], [sflag:$0x1] =	stream.indirect.gather [hbm4b:s8+s16], $0x8, s19, s16, $0xb8;
	[tilespmem:$0x77C0] =	vst v63  }
0xea: {  	_ =	swait.ge [sflag:s21], $0x400  }
0xeb: {  	[sflag:s21] =	ssyncset.done $0x0  }
0xec: {  	[sflag:s21] =	ssyncadd.s32 $0xFFFFFC00  }
0xed: {  	_ =	swait.ge [sflag:s21], $0x400  }
0xee: {  	[sflag:s21] =	ssyncset.done $0x0  }
0xef: {  	[sflag:s21] =	ssyncadd.s32 $0xFFFFFC00  }
0xf0: {  	_ =	swait.ge [sflag:s21], $0x400  }
0xf1: {  	[sflag:s21] =	ssyncset.done $0x0  }
0xf2: {  	[sflag:s21] =	ssyncadd.s32 $0xFFFFFC00  }
0xf3: {  	_ =	swait.ge [sflag:s21], $0x400  }
0xf4: {  	[sflag:s21] =	ssyncset.done $0x0  }
0xf5: {  	[sflag:s21] =	ssyncadd.s32 $0xFFFFFC00  }
0xf6: {  	_ =	swait.ge [sflag:s21], $0x400  }
0xf7: {  	[sflag:s21] =	ssyncset.done $0x0  }
0xf8: {  	[sflag:s21] =	ssyncadd.s32 $0xFFFFFC00  }
0xf9: {  	_ =	swait.ge [sflag:s21], $0x400  }
0xfa: {  	[sflag:s21] =	ssyncset.done $0x0  }
0xfb: {  	[sflag:s21] =	ssyncadd.s32 $0xFFFFFC00  }
0xfc: {  	_ =	swait.ge [sflag:s21], $0x400  }
0xfd: {  	[sflag:s21] =	ssyncset.done $0x0  }
0xfe: {  	[sflag:s21] =	ssyncadd.s32 $0xFFFFFC00  }
0xff: {  	_ =	swait.ge [sflag:s21], $0x400  }
0x100: {  	[sflag:s21] =	ssyncset.done $0x0  }
0x101: {  	[sflag:s21] =	ssyncadd.s32 $0xFFFFFC00  }
0x102: {  	_ =	swait.ge [sflag:s21], $0x400  }
0x103: {  	[sflag:s21] =	ssyncset.done $0x0  }
0x104: {  	[sflag:s21] =	ssyncadd.s32 $0xFFFFFC00  }
0x105: {  	_ =	swait.ge [sflag:s21], $0x400  }
0x106: {  	[sflag:s21] =	ssyncset.done $0x0  }
0x107: {  	[sflag:s21] =	ssyncadd.s32 $0xFFFFFC00  }
0x108: {  	_ =	swait.ge [sflag:s21], $0x400  }
0x109: {  	[sflag:s21] =	ssyncset.done $0x0  }
0x10a: {  	[sflag:s21] =	ssyncadd.s32 $0xFFFFFC00  }
0x10b: {  	_ =	swait.ge [sflag:s21], $0x400  }
0x10c: {  	[sflag:s21] =	ssyncset.done $0x0  }
0x10d: {  	[sflag:s21] =	ssyncadd.s32 $0xFFFFFC00  }
0x10e: {  	_ =	swait.ge [sflag:s21], $0x400  }
0x10f: {  	[sflag:s21] =	ssyncset.done $0x0  }
0x110: {  	[sflag:s21] =	ssyncadd.s32 $0xFFFFFC00  }
0x111: {  	_ =	swait.ge [sflag:s21], $0x400  }
0x112: {  	[sflag:s21] =	ssyncset.done $0x0  }
0x113: {  	[sflag:s21] =	ssyncadd.s32 $0xFFFFFC00  }
0x114: {  	s31 =	simm.s32 $0x0;
	_ =	swait.ge [sflag:s21], $0x400  }
0x115: {  	v17 =	vor.u32 s31, v1;
	v20 =	vor.u32 s31, v9;
	[sflag:s21] =	ssyncset.done $0x0  }
0x116: {  	v19 =	vand.u32 v10, v20;
	[sflag:s21] =	ssyncadd.s32 $0xFFFFFC00  }
0x117: {  	v22 =	vor.u32 s31, v5;
	_ =	swait.ge [sflag:s21], $0x400  }
0x118: {  	v23 =	vor.u32 s31, v13;
	v21 =	vand.u32 v6, v22;
	[sflag:s21] =	ssyncset.done $0x0  }
0x119: {  	s29 =	sshll.u32 s28, $0x1;
	v26 =	vor.u32 s31, v3;
	v24 =	vand.u32 v14, v23;
	[sflag:s21] =	ssyncadd.s32 $0xFFFFFC00  }
0x11a: {  	v18 =	vor.u32 s29, v2;
	v31 =	vand.u32 v4, v26;
	v30 =	vld.idx.msk [tilespmem:v17+s25+$0x0], $0xffff  }
0x11b: {  	v62 =	vor.u32 s31, v7;
	v63 =	vor.u32 s31, v11;
	v33 =	vor.u32 s31, v15;
	v29 =	vld.idx.msk [tilespmem:v19+s25+$0x0], $0xffff  }
0x11c: {  	v18 =	vand.u32 $0x1F, v18;
	v28 =	vshll.u32 v17, $0x3;
	v27 =	vand.u32 v12, v63  }
0x11d: {  	v22 =	vshll.u32 v22, $0x3;
	v32 =	vshll.u32 v20, $0x3;
	v20 =	vshll.u32 v63, $0x3;
	v25 =	vld.idx.msk [tilespmem:v21+s25+$0x0], $0xffff  }
0x11e: {  	s29 =	simm.s32 $0x8;
	v21 =	vshll.u32 v26, $0x3;
	v19 =	vshll.u32 v62, $0x3;
	v26 =	vand.u32 v8, v62;
	v24 =	vld.idx.msk [tilespmem:v24+s25+$0x0], $0xffff  }
.LBB2_8:
0x11f: {  	p0 =	sne.s32 s29, $0xF8;
	v30 =	vadd.s32 v2, v30;
	v31 =	vld.idx.msk [tilespmem:v31+s25+$0x0], $0xffff;
	v23 =	vshll.u32 v23, $0x3;
	v34 =	vand.u32 v16, v33  }
0x120: {  	v29 =	vadd.s32 v2, v29;
	v33 =	vshll.u32 v33, $0x3;
	v35 =	vand.u32 $0xFFFFFFF8, v30  }
0x121: {  	v30 =	vand.u32 $0x7, v30;
	v28 =	vadd.s32 v28, v35;
	v35 =	vand.u32 $0xFFFFFFF8, v29;
	v27 =	vld.idx.msk [tilespmem:v27+s25+$0x0], $0xffff  }
0x122: {  	v25 =	vadd.s32 v2, v25;
	v29 =	vand.u32 $0x7, v29;
	v32 =	vadd.s32 v32, v35  }
0x123: {  	v28 =	vor.u32 v30, v28;
	v30 =	vand.u32 $0xFFFFFFF8, v25;
	v26 =	vld.idx.msk [tilespmem:v26+s25+$0x0], $0xffff;
	v29 =	vor.u32 v29, v32  }
0x124: {  	v25 =	vand.u32 $0x7, v25;
	v22 =	vadd.s32 v22, v30;
	v24 =	vadd.s32 v2, v24;
	v30 =	vld.idx.msk [tilespmem:v34+s25+$0x0], $0xffff  }
0x125: {  	v31 =	vadd.s32 v2, v31;
	v22 =	vor.u32 v25, v22;
	v25 =	vand.u32 $0xFFFFFFF8, v24  }
0x126: {  	v24 =	vand.u32 $0x7, v24;
	v32 =	vand.u32 $0xFFFFFFF8, v31;
	v23 =	vadd.s32 v23, v25  }
0x127: {  	v25 =	vand.u32 $0x7, v31;
	v21 =	vadd.s32 v21, v32;
	v27 =	vadd.s32 v2, v27  }
0x128: {  	v23 =	vor.u32 v24, v23;
	v21 =	vor.u32 v25, v21;
	v25 =	vand.u32 $0xFFFFFFF8, v27  }
0x129: {  	v27 =	vand.u32 $0x7, v27;
	v26 =	vadd.s32 v2, v26;
	v20 =	vadd.s32 v20, v25;
	v24 =	vld.idx.msk [tilespmem:v17+s23+$0x0], $0xffff  }
0x12a: {  	v20 =	vor.u32 v27, v20;
	v27 =	vadd.s32 v2, v30;
	v25 =	vld.idx.msk [tilespmem:v28+s18+$0x0], $0xffff;
	v28 =	vand.u32 $0xFFFFFFF8, v26  }
0x12b: {  	v26 =	vand.u32 $0x7, v26;
	v19 =	vadd.s32 v19, v28;
	v28 =	vld.idx.msk [tilespmem:v29+s18+$0x0], $0xffff;
	v29 =	vand.u32 $0xFFFFFFF8, v27  }
0x12c: {  	v22 =	vld.idx.msk [tilespmem:v22+s18+$0x0], $0xffff;
	v19 =	vor.u32 v26, v19;
	v26 =	vand.u32 $0x7, v27;
	v27 =	vadd.s32 v33, v29  }
0x12d: {  	v29 =	vld.idx.msk [tilespmem:v17+s22+$0x0], $0xffff;
	v26 =	vor.u32 v26, v27  }
0x12e: {  	v23 =	vld.idx.msk [tilespmem:v23+s18+$0x0], $0xffff  }
0x12f: {  	v21 =	vld.idx.msk [tilespmem:v21+s18+$0x0], $0xffff  }
0x130: {  	v20 =	vld.idx.msk [tilespmem:v20+s18+$0x0], $0xffff  }
0x131: {  	v19 =	vld.idx.msk [tilespmem:v19+s18+$0x0], $0xffff  }
0x132: {  	v26 =	vld.idx.msk [tilespmem:v26+s18+$0x0], $0xffff  }
0x133: {  	v27 =	vsub.f32 $1.000000000e+00, v29;
	_ =	sdelay $0x1  }
0x134: {  	v28 =	vmul.f32 v28, v29;
	v25 =	vmul.f32 v25, v27  }
0x135: {  	v21 =	vmul.f32 v21, v27;
	v20 =	vmul.f32 v20, v29  }
0x136: {  	v23 =	vmul.f32 v23, v29;
	v22 =	vmul.f32 v22, v27;
	v30 =	vld.idx.msk [tilespmem:v17+s24+$0x0], $0xffff  }
0x137: {  	v31 =	vsub.f32 $1.000000000e+00, v24;
	v19 =	vmul.f32 v19, v27;
	v26 =	vmul.f32 v26, v29  }
0x138: {  	v25 =	vadd.f32 v28, v25;
	v22 =	vadd.f32 v23, v22  }
0x139: {  	v20 =	vadd.f32 v20, v21;
	v19 =	vadd.f32 v26, v19  }
0x13a: {  	v21 =	vmul.f32 v25, v31;
	v22 =	vmul.f32 v22, v24  }
0x13b: {  	v20 =	vmul.f32 v20, v31;
	v19 =	vmul.f32 v19, v24  }
0x13c: {  	v23 =	vsub.f32 $1.000000000e+00, v30  }
0x13d: {  	v21 =	vadd.f32 v22, v21;
	v19 =	vadd.f32 v19, v20;
	v20 =	vshll.u32 v17, $0x5  }
0x13e: {  	v17 =	vor.u32 s29, v1;
	v20 =	vor.u32 v18, v20  }
0x13f: {  	v24 =	vor.u32 s29, v9;
	v21 =	vmul.f32 v21, v23;
	v19 =	vmul.f32 v19, v30  }
0x140: {  	v22 =	vand.u32 v10, v24  }
0x141: {  	v26 =	vor.u32 s29, v5;
	v19 =	vadd.f32 v19, v21  }
0x142: {  	v21 =	vand.u32 v6, v26  }
0x143: {  	v23 =	vor.u32 s29, v13;
	[tilespmem:v20+s26+$0x0] =	vst.idx.msk $0xffff, v19  }
0x144: {  	v34 =	vand.u32 v14, v23;
	v19 =	vor.u32 s29, v3;
	v30 =	vld.idx.msk [tilespmem:v17+s25+$0x0], $0xffff  }
.Ltmp2:
0x145: {  	v31 =	vand.u32 v4, v19;
	v29 =	vld.idx.msk [tilespmem:v22+s25+$0x0], $0xffff;
	(pc) =	sbr.rel @p0 .LBB2_8-.Ltmp2, $4  }
0x146: {  	v35 =	vor.u32 s29, v11;
	v20 =	vor.u32 s29, v7  }
0x147: {  	v33 =	vor.u32 s29, v15;
	v27 =	vand.u32 v12, v35;
	v28 =	vshll.u32 v17, $0x3;
	v25 =	vld.idx.msk [tilespmem:v21+s25+$0x0], $0xffff  }
0x148: {  	v22 =	vshll.u32 v26, $0x3;
	v21 =	vshll.u32 v19, $0x3;
	v19 =	vshll.u32 v20, $0x3  }
0x149: {  	v32 =	vshll.u32 v24, $0x3;
	s29 =	sadd.s32 $0x8, s29;
	v26 =	vand.u32 v8, v20;
	v20 =	vshll.u32 v35, $0x3;
	v24 =	vld.idx.msk [tilespmem:v34+s25+$0x0], $0xffff  }
0x14a: {  	_ =	sdelay $0x3  }
0x14b: {  	v30 =	vadd.s32 v2, v30;
	v23 =	vshll.u32 v23, $0x3;
	v34 =	vand.u32 v16, v33;
	v31 =	vld.idx.msk [tilespmem:v31+s25+$0x0], $0xffff  }
0x14c: {  	v29 =	vadd.s32 v2, v29;
	v42 =	vshll.u32 v33, $0x3;
	v27 =	vld.idx.msk [tilespmem:v27+s25+$0x0], $0xffff;
	v35 =	vand.u32 $0xFFFFFFF8, v30  }
0x14d: {  	v26 =	vld.idx.msk [tilespmem:v26+s25+$0x0], $0xffff;
	v30 =	vand.u32 $0x7, v30;
	v43 =	vand.u32 $0xFFFFFFF8, v29;
	v29 =	vand.u32 $0x7, v29  }
0x14e: {  	v28 =	vadd.s32 v28, v35;
	v25 =	vadd.s32 v2, v25;
	v32 =	vadd.s32 v32, v43  }
0x14f: {  	v28 =	vor.u32 v30, v28;
	v44 =	vand.u32 $0xFFFFFFF8, v25;
	v29 =	vor.u32 v29, v32  }
0x150: {  	v25 =	vand.u32 $0x7, v25;
	v22 =	vadd.s32 v22, v44;
	v24 =	vadd.s32 v2, v24  }
0x151: {  	v45 =	vld.idx.msk [tilespmem:v34+s25+$0x0], $0xffff;
	v31 =	vadd.s32 v2, v31;
	v22 =	vor.u32 v25, v22;
	v46 =	vand.u32 $0xFFFFFFF8, v24  }
0x152: {  	v24 =	vand.u32 $0x7, v24;
	v27 =	vadd.s32 v2, v27;
	v26 =	vadd.s32 v2, v26  }
0x153: {  	v47 =	vand.u32 $0xFFFFFFF8, v31;
	v23 =	vadd.s32 v23, v46;
	v48 =	vand.u32 $0x7, v31  }
0x154: {  	v49 =	vand.u32 $0xFFFFFFF8, v27;
	v27 =	vand.u32 $0x7, v27;
	v52 =	vand.u32 $0xFFFFFFF8, v26  }
0x155: {  	v50 =	vld.idx.msk [tilespmem:v17+s23+$0x0], $0xffff;
	v26 =	vand.u32 $0x7, v26;
	v21 =	vadd.s32 v21, v47;
	v23 =	vor.u32 v24, v23  }
0x156: {  	v58 =	vld.idx.msk [tilespmem:v17+s22+$0x0], $0xffff;
	v20 =	vadd.s32 v20, v49;
	v21 =	vor.u32 v48, v21;
	v53 =	vadd.s32 v2, v45  }
0x157: {  	v19 =	vadd.s32 v19, v52;
	v51 =	vld.idx.msk [tilespmem:v28+s18+$0x0], $0xffff;
	v20 =	vor.u32 v27, v20;
	v55 =	vand.u32 $0xFFFFFFF8, v53  }
0x158: {  	v54 =	vld.idx.msk [tilespmem:v29+s18+$0x0], $0xffff;
	v19 =	vor.u32 v26, v19;
	v56 =	vand.u32 $0x7, v53;
	v57 =	vadd.s32 v42, v55  }
0x159: {  	v22 =	vld.idx.msk [tilespmem:v22+s18+$0x0], $0xffff;
	v26 =	vor.u32 v56, v57  }
0x15a: {  	v23 =	vld.idx.msk [tilespmem:v23+s18+$0x0], $0xffff  }
0x15b: {  	v21 =	vld.idx.msk [tilespmem:v21+s18+$0x0], $0xffff  }
0x15c: {  	v20 =	vld.idx.msk [tilespmem:v20+s18+$0x0], $0xffff  }
0x15d: {  	v19 =	vld.idx.msk [tilespmem:v19+s18+$0x0], $0xffff  }
0x15e: {  	v59 =	vsub.f32 $1.000000000e+00, v58;
	v26 =	vld.idx.msk [tilespmem:v26+s18+$0x0], $0xffff;
	_ =	sdelay $0x1  }
0x15f: {  	v25 =	vmul.f32 v51, v59;
	v28 =	vmul.f32 v54, v58  }
0x160: {  	v22 =	vmul.f32 v22, v59;
	v23 =	vmul.f32 v23, v58  }
0x161: {  	v21 =	vmul.f32 v21, v59;
	v20 =	vmul.f32 v20, v58  }
0x162: {  	v60 =	vld.idx.msk [tilespmem:v17+s24+$0x0], $0xffff;
	v61 =	vsub.f32 $1.000000000e+00, v50;
	v19 =	vmul.f32 v19, v59;
	v26 =	vmul.f32 v26, v58  }
0x163: {  	v25 =	vadd.f32 v28, v25;
	v22 =	vadd.f32 v23, v22  }
0x164: {  	v20 =	vadd.f32 v20, v21;
	v19 =	vadd.f32 v26, v19  }
0x165: {  	v62 =	vmul.f32 v25, v61;
	v22 =	vmul.f32 v22, v50  }
0x166: {  	v20 =	vmul.f32 v20, v61;
	v19 =	vmul.f32 v19, v50  }
0x167: {  	v63 =	vsub.f32 $1.000000000e+00, v60  }
0x168: {  	v17 =	vshll.u32 v17, $0x5;
	s28 =	sadd.s32 $0x1, s28;
	v21 =	vadd.f32 v22, v62;
	v19 =	vadd.f32 v19, v20  }
0x169: {  	v17 =	vor.u32 v18, v17;
	p0 =	sne.s32 s28, $0x10  }
.Ltmp3:
0x16a: {  	v18 =	vmul.f32 v21, v63;
	v19 =	vmul.f32 v19, v60;
	(pc) =	sbr.rel @p0 .LBB2_5-.Ltmp3, $3  }
0x16b: {  	_ = 	snop  }
0x16c: {  	v18 =	vadd.f32 v19, v18;
	_ =	sdelay $0x1  }
0x16d: {  	[tilespmem:v17+s26+$0x0] =	vst.idx.msk $0xffff, v18  }
0x16e: {  	s0 =	rddreg [dreg:$0xd]  }
0x16f: {  	s28 =	rddreg [dreg:$0x2];
	s0 =	sshll.u32 s0, $0x2  }
0x170: {  	s29 =	simm.s32 $0x0;
	s30 =	simm.s32 $0x2;
	s0 =	sadd.s32 s28, s0  }
0x171: {  	[hbm4b:s0+s29] =	stream.linear.scatter [tilespmem:s26], [sflag:$0x2], $0x2000, $0x38;
	[tilespmem:$0x77C0] =	vst v63  }
0x172: {  	_ =	swait.ge [sflag:s30], $0x2000  }
0x173: {  	s31 =	rddreg [dreg:$0x7]  }
0x174: {  	[sflag:s30] =	ssyncset.done $0x0;
	s28 =	rddreg [dreg:$0xc]  }
0x175: {  	[sflag:s30] =	ssyncadd.s32 $0xFFFFE000;
	s0 =	sadd.s32 s31, s28;
	s31 =	simm.s32 $0x6C0  }
0x176: {  	[hbm4b:s0+s29] =	stream.linear.scatter [tilespmem:s31], [sflag:$0x2], $0x100, $0x38;
	[tilespmem:$0x77C0] =	vst v63  }
0x177: {  	_ =	swait.ge [sflag:s30], $0x100  }
0x178: {  	s31 =	rddreg [dreg:$0xb]  }
0x179: {  	s0 =	sadd.s32 $0x1, s31  }
0x17a: {  	p0 =	sne.s32 s0, $0x20  }
.Ltmp4:
0x17b: {  	_ = 	snop;
	(pc) =	sbr.rel @p0 .LBB2_2-.Ltmp4, $3  }
0x17c: {  	_ =	sdelay $0x1  }
0x17d: {  	[sflag:s30] =	ssyncset.done $0x0  }
0x17e: {  	s28 =	simm.s32 $0x0;
	[sflag:s30] =	ssyncadd.s32 $0xFFFFFF00  }
0x17f: {  	s29 =	rddreg [dreg:$0xa]  }
0x180: {  	s0 =	rddreg [dreg:$0x9];
	s29 =	sadd.s32 $0x1, s29  }
0x181: {  	p0 =	sne.s32 s29, s0  }
.Ltmp5:
0x182: {  	_ = 	snop;
	(pc) =	sbr.rel @p0 .LBB2_1-.Ltmp5, $1  }
0x183: {  	_ =	sdelay $0x3  }
0x184: {  	_ =	sfence.sel $0x180000  }
0x185: {  	[bflag:$0x0] =	sbarrier.arrive $0xFFFF  }
0x186: {  	_ =	strace $0x90000047  }
0x187: {  	s0 =	stileid.u32;
	[bflag:$0x2] =	sbarrier.arrive $0xFFFF  }
0x188: {  	p0 =	sne.s32 s0, $0x0;
	s0 =	rddreg [dreg:$0x3]  }
0x189: {  	s0 =	sadd.s32 @!p0 $0x100000, s0  }
0x18a: {  	[sflag:s0] =	ssyncadd.tile.s32 @!p0 $0x1;
	_ =	shalt  }
.Lfunc_end2:
_tile_overlayer_lowered:
.L_overlay_start_2:
0x18b: {  	(tag) =	ssettag $0x2  }
0x18c: {  	s0 =	rddreg [dreg:$0x0];
	s2 =	stileid.u32  }
0x18d: {  	s1 =	rddreg [dreg:$0x1];
	p0 =	sne.s32 s2, $0x0  }
0x18e: {  	s3 =	rddreg [dreg:$0x2];
	[bflag:$0x3] =	sbarrier.arrive $0xFFFF;
	s2 =	simm.s32 @!p0 $0x1C02  }
0x18f: {  	[timem:s3], [sflag:s2] =	dma.local @!p0 [hbm:s0], s1  }
0x190: {  	s0 =	simm.s32 @!p0 $0x2  }
0x191: {  	_ =	swait.ge @!p0 [sflag:s0], s1  }
0x192: {  	s1 =	ssub.s32 @!p0 $0x0, s1;
	[sflag:s0] =	ssyncset.done @!p0 $0x0  }
0x193: {  	[sflag:s0] =	ssyncadd.s32 @!p0 s1  }
0x194: {  	[bflag:$0x3] =	sbarrier.arrive $0xFFFF  }
0x195: {  	_ =	shalt  }

// kernel: sparse-core-data-format-call.cloned.1.call-start
scs
called_computation_lowered:
.L_overlay_start_0:
0x0: {  	s2 =	sld [smem:$0x3FD9]  }
0x1: {  	s3 =	sld [smem:$0x3FFE];
	_ =	sdelay $0x1  }
0x2: {  	s1 =	srdreg.scid  }
0x3: {  	s0 =	sand.u32 $0x1, s1  }
0x4: {  	s15 =	sshll.u32 s0, $0xA;
	s2 =	sadd.s32 s3, s2  }
0x5: {  	s2 =	sadd.s32 s2, s15  }
0x6: {  	[smem:$0x3FC4] =	sst s2  }
0x7: {  	_ = 	snop  }
0x8: {  	s2 =	sld [smem:$0x3FD0];
	_ =	sdelay $0x2  }
0x9: {  	s16 =	simm.s32 $0xA;
	s4 =	simm.s32 $0x10  }
0xa: {  	[smem:s4], [sflag:s16] =	dma.local [hbm:s2], $0x1  }
0xb: {  	_ =	swait.eq [sflag:s16], $0x1  }
0xc: {  	[sflag:s16] =	ssyncset.done $0x0  }
0xd: {  	[sflag:s16] =	ssyncadd.s32 $0xFFFFFFFF  }
0xe: {  	s17 =	sld [smem:$0x10];
	(tm) =	ssettm $0x1  }
0xf: {  	s18 =	sld [smem:$0x3FFB];
	_ =	sdelay $0x3  }
0x10: {  	_ =	strace s18  }
0x11: {  	s3 =	sld [smem:$0x3FFC];
	_ =	sdelay $0x3  }
0x12: {  	_ =	strace s3  }
0x13: {  	s3 =	sld [smem:$0x3FFD];
	_ =	sdelay $0x3  }
0x14: {  	_ =	strace s3  }
0x15: {  	_ =	strace $0x8FFFFFFF  }
0x16: {  	s19 =	sld [smem:$0x3FDB];
	_ =	sdelay $0x1  }
0x17: {  	s20 =	simm.s32 $_scs_section_size  }
0x18: {  	s5 =	simm.s32 $_size__tile_overlayer_lowered;
	s6 =	simm.s32 $_tile_overlayer_lowered  }
0x19: {  	s23 =	simm.s32 $0x1BFF;
	s22 =	sshll.u32 s6, $0x1;
	s3 =	sadd.s32 s20, s19  }
0x1a: {  	s7 =	simm.s32 $0x0;
	s21 =	sshll.u32 s5, $0x1;
	s5 =	sadd.s32 s22, s3  }
0x1b: {  	[timem:s7], [sflag:s23] =	dma.local [hbm:s5], s21  }
0x1c: {  	_ =	swait.ge [sflag:s23], s21  }
0x1d: {  	s4 =	ssub.s32 $0x0, s21;
	[sflag:s23] =	ssyncset.done $0x0  }
0x1e: {  	[sflag:s23] =	ssyncadd.s32 s4;
	_ =	sdelay $0x1  }
0x1f: {  	s24 =	simm.s32 $0x1B8B  }
0x20: {  	_ =	swait.ge [sflag:s24], $0x1  }
0x21: {  	[sflag:s24] =	ssyncset.done $0x0  }
0x22: {  	s26 =	simm.s32 $0x1B8E;
	s25 =	sld [smem:$0x3FFE];
	[sflag:s24] =	ssyncadd.s32 $0xFFFFFFFF  }
0x23: {  	s27 =	simm.s32 $execute0_lowered;
	[smem:$0x3FD2] =	sst s26  }
0x24: {  	s5 =	sshll.u32 s27, $0x1;
	_ =	strace $0x80000049;
	[dreg:$0x1] =	wrdreg $0xFFFFFFFF  }
0x25: {  	s28 =	simm.s32 $_size_execute0_lowered;
	s3 =	sadd.s32 s3, s5;
	[dreg:$0x0] =	wrdreg $0x0  }
0x26: {  	s5 =	sshll.u32 s28, $0x1;
	[dreg:$0x2] =	wrdreg s3  }
0x27: {  	[dreg:$0x3] =	wrdreg s5  }
0x28: {  	[dreg:$0x4] =	wrdreg $0xC0  }
0x29: {  	_ =	task [dreg:s7], $0x5FFFF  }
0x2a: {  	[dreg:$0x1] =	wrdreg $0xFFFFFFFF  }
0x2b: {  	[dreg:$0x0] =	wrdreg $0x60  }
0x2c: {  	[dreg:$0x2] =	wrdreg s25  }
0x2d: {  	[dreg:$0x3] =	wrdreg s17  }
0x2e: {  	[dreg:$0x4] =	wrdreg $0x9  }
0x2f: {  	_ =	task.clear_ibuf [dreg:s7], $0x5FFFF;
	_ =	strace $0x90000049  }
0x30: {  	s29 =	simm.s32 $0x9;
	_ =	strace $0x8000004B  }
0x31: {  	_ =	swait.ge [sflag:s29], $0x1  }
0x32: {  	[sflag:s29] =	ssyncadd.s32 $0xFFFFFFFF  }
0x33: {  	_ =	strace $0x9000004B  }
0x34: {  	_ =	sfence  }
0x35: {  	s30 =	sld [smem:$0x0];
	_ =	sdelay $0x2  }
0x36: {  	s31 =	sshll.u32 s1, $0xD;
	s1 =	sshrl.u32 s1, $0x2  }
0x37: {  	s3 =	sand.u32 $0x4000, s31;
	s1 =	sadd.s32 s1, s30  }
0x38: {  	s0 =	sor.u32 s3, s0;
	s1 =	sshll.u32 s1, $0x11  }
0x39: {  	s0 =	sor.u32 s1, s0  }
0x3a: {  	s0 =	sadd.s32 $0x8F2B, s0  }
0x3b: {  	[sflag:s0] =	ssyncadd.remote.s32 $0x1  }
0x3c: {  	_ =	sfence.sel $0xFFFF  }
0x3d: {  	[dreg:$0x0] =	wrdreg $0xFFFFFFFF;
	(pc) =	sbr.abs _section_cstart, $3  }
0x3e: {  	[dreg:$0x1] =	wrdreg $0xFFFFFFFF  }
0x3f: {  	_ =	task.clear_ibuf [dreg:s7], $0x2FFFF;
	_ =	strace $0x9FFFFFFF  }
0x40: {  	(tm) =	ssettm $0x7FFFFFFF  }
0x41: {  	_ =	shalt  }
tec
execute0_lowered:
.L_overlay_start_1:
0x0: {  	(tag) =	ssettag $0x1  }
0x1: {  	s0 =	srdreg.scid  }
0x2: {  	s1 =	sshll.u32 s0, $0x4  }
0x3: {  	s4 =	rddreg [dreg:$0x0];
	s0 =	stileid.u32;
	s1 =	sand.u32 $0x10, s1  }
0x4: {  	s2 =	rddreg [dreg:$0x1];
	s7 =	simm.s32 $0x1;
	s1 =	sor.u32 s0, s1  }
0x5: {  	s8 =	simm.s32 $0x2;
	s11 =	simm.s32 $0x0;
	s3 =	sshll.u32 s1, $0x7  }
0x6: {  	s10 =	simm.s32 $0x0;
	s4 =	sadd.s32 $0x21600, s4;
	s6 =	ssub.s32 $0x40000, s3  }
.Ltmp0:
0x7: {  	s1 =	rddreg [dreg:$0x2];
	s5 =	sand.u32 $0xF80, s6;
	(pc) =	sbr.rel .LBB1_1-.Ltmp0, $4  }
0x8: {  	_ =	strace $0x8000004A;
	s9 =	smov.u32 s3;
	p0 =	sne.s32 s5, $0x0  }
0x9: {  	s6 =	sshrl.u32 s6, $0xC;
	s5 =	simm.s32 $0x1;
	s7 =	simm.s32 @!p0 $0x0  }
0xa: {  	[sflag:s5] =	ssyncpa.u1 $0x0;
	p0 =	por $0x0, $0x0;
	s6 =	sadd.s32 s7, s6  }
0xb: {  	[sflag:s8] =	ssyncpa.u1 $0x0;
	s8 =	simm.s32 $0x200000;
	s7 =	sadd.s32 $0x1, s6  }
.LBB1_4:
0xc: {  	s13 =	sshll.u32 s11, $0x3  }
0xd: {  	s15 =	sand.u32 $0x78, s11;
	s13 =	sand.u32 $0x3FC00, s13  }
0xe: {  	s30 =	sand.u32 $0xF8000, s11;
	s31 =	sand.u32 $0x7, s11;
	s13 =	sor.u32 s15, s13  }
0xf: {  	s11 =	sshll.u32 s31, $0x12;
	s15 =	sadd.s32 s2, s30;
	s13 =	sshrl.u32 s13, $0x3  }
0x10: {  	[tilespmem:s14+$0x0 ss:$0x81] =	vst.msk $0xffff, v0;
	s11 =	sor.u32 $0x400, s11;
	s13 =	sadd.s32 s13, s15  }
0x11: {  	[hbm4b:s13+s11] =	stream.strided.scatter [tilespmem:s12], [sflag:$0x2], $0x1000, s8, s11, $0x20;
	[tilespmem:$0x4040] =	vst v63  }
.LBB1_5:
0x12: {  	s13 =	sadd.s32 $0x1000, s9  }
0x13: {  	p2 =	sgt.s32 s13, $0x3FFFF  }
0x14: {  	s13 =	smov.u32 @p2 s3;
	p2 =	sne.s32 s10, s7  }
.Ltmp1:
0x15: {  	p1 =	slt.u32 s10, $0x2;
	(pc) =	sbr.rel @!p2 .LBB1_6-.Ltmp1, $4  }
0x16: {  	s12 =	simm.s32 @!p1 $0x2  }
0x17: {  	s14 =	sadd.s32 $0x1, s10;
	_ =	swait.ge @!p1 [sflag:s12], $0x1000  }
0x18: {  	s11 =	smov.u32 s9;
	p0 =	por !p0, !p0;
	[sflag:s12] =	ssyncset.done @!p1 $0x0  }
0x19: {  	s10 =	smov.u32 s14;
	s9 =	smov.u32 s13;
	[sflag:s12] =	ssyncadd.s32 @!p1 $0xFFFFF000  }
.LBB1_1:
0x1a: {  	p1 =	sge.u32 s10, s6  }
0x1b: {  	s31 =	sadd.s32 $0xFFFFFFFF, s10;
	s12 =	sxor.u32 @!p1 $0xFFFFFFFF, s10;
	s13 =	sshll.u32 @!p1 s9, $0x4  }
0x1c: {  	s14 =	simm.s32 @!p1 $0x20;
	s12 =	sshll.u32 @!p1 s12, $0xC;
	s13 =	sand.u32 @!p1 $0x3FFFF0, s13  }
0x1d: {  	s15 =	simm.s32 @!p1 $0x80;
	s12 =	sand.u32 @!p1 $0x1000, s12;
	s13 =	sadd.s32 @!p1 s4, s13  }
0x1e: {  	[tilespmem:s12], [sflag:$0x1] =	stream.strided.gather @!p1 [hbm4b:s13+s14], $0x1000, s15, s14, $0x38;
	[tilespmem:$0x4040] =	vst v63  }
0x1f: {  	p1 =	sge.u32 s31, s6  }
.Ltmp2:
0x20: {  	_ = 	snop;
	(pc) =	sbr.rel @p1 .LBB1_5-.Ltmp2, $1  }
0x21: {  	_ =	sdelay $0x3  }
0x22: {  	s12 =	simm.s32 $0x1  }
0x23: {  	_ =	swait.ge [sflag:s5], $0x1000;
	s12 =	simm.s32 @!p0 $0x0  }
0x24: {  	[sflag:s5] =	ssyncset.done $0x0;
	s13 =	sshll.u32 s12, $0xC  }
0x25: {  	[sflag:s5] =	ssyncadd.s32 $0xFFFFF000;
	s16 =	sor.u32 $0x10, s13  }
0x26: {  	s12 =	smul.u32 $0x4080, s12;
	v1 =	vld [tilespmem:s16+$0x0]  }
0x27: {  	s30 =	sand.u32 $0x1, s10;
	v0 =	vld [tilespmem:s16+$0xFFFFFFF0]  }
0x28: {  	s14 =	smul.u32 $0x4080, s30;
	s12 =	sshrl.u32 s12, $0x2  }
0x29: {  	s13 =	sor.u32 $0x2000, s12  }
0x2a: {  	s31 =	sshrl.u32 s14, $0x2;
	s14 =	sadd.s32 $0x0, s13  }
0x2b: {  	s15 =	simm.s32 $0x4;
	s16 =	sadd.s32 $0x20, s16;
	s12 =	sor.u32 $0x2000, s31;
	[tilespmem:s14+$0x810 ss:$0x81] =	vst.msk $0xffff, v1  }
.LBB1_3:
0x2c: {  	v1 =	vld [tilespmem:s16+$0x0];
	p1 =	sne.s32 s15, $0x1FC;
	[tilespmem:s14+$0x0 ss:$0x81] =	vst.msk $0xffff, v0;
	s14 =	smov.u32 s15;
	s15 =	sadd.s32 $0x4, s15  }
.Ltmp3:
0x2d: {  	v0 =	vld [tilespmem:s16+$0xFFFFFFF0];
	(pc) =	sbr.rel @p1 .LBB1_3-.Ltmp3, $4  }
0x2e: {  	_ = 	snop  }
0x2f: {  	s14 =	sshra.s32 s14, $0x2  }
0x30: {  	s14 =	sadd.s32 s14, s13  }
0x31: {  	s16 =	sadd.s32 $0x20, s16;
	[tilespmem:s14+$0x810 ss:$0x81] =	vst.msk $0xffff, v1  }
.Ltmp4:
0x32: {  	_ = 	snop;
	(pc) =	sbr.rel .LBB1_4-.Ltmp4, $1  }
0x33: {  	_ =	sdelay $0x3  }
.LBB1_6:
0x34: {  	_ =	sfence.sel $0x180000  }
0x35: {  	s2 =	simm.s32 $0x1;
	[bflag:$0x0] =	sbarrier.arrive $0xFFFF  }
0x36: {  	s31 =	simm.s32 $0x2;
	[sflag:s2] =	ssyncpa.u1 $0x1  }
0x37: {  	[sflag:s31] =	ssyncpa.u1 $0x1  }
0x38: {  	p0 =	sne.s32 s0, $0x0;
	_ =	strace $0x9000004A  }
0x39: {  	s0 =	sadd.s32 @!p0 $0x100000, s1;
	[bflag:$0x2] =	sbarrier.arrive $0xFFFF  }
0x3a: {  	[sflag:s0] =	ssyncadd.tile.s32 @!p0 $0x1;
	_ =	shalt  }
.Lfunc_end1:
_tile_overlayer_lowered:
.L_overlay_start_2:
0x3b: {  	(tag) =	ssettag $0x2  }
0x3c: {  	s0 =	rddreg [dreg:$0x0];
	s2 =	stileid.u32  }
0x3d: {  	s1 =	rddreg [dreg:$0x1];
	p0 =	sne.s32 s2, $0x0  }
0x3e: {  	s3 =	rddreg [dreg:$0x2];
	[bflag:$0x3] =	sbarrier.arrive $0xFFFF;
	s2 =	simm.s32 @!p0 $0x1C01  }
0x3f: {  	[timem:s3], [sflag:s2] =	dma.local @!p0 [hbm:s0], s1  }
0x40: {  	s0 =	simm.s32 @!p0 $0x1  }
0x41: {  	_ =	swait.ge @!p0 [sflag:s0], s1  }
0x42: {  	s1 =	ssub.s32 @!p0 $0x0, s1;
	[sflag:s0] =	ssyncset.done @!p0 $0x0  }
0x43: {  	[sflag:s0] =	ssyncadd.s32 @!p0 s1  }
0x44: {  	[bflag:$0x3] =	sbarrier.arrive $0xFFFF  }
0x45: {  	_ =	shalt  }

</sc_bundles>
